<compile_context>
chip_gen: v7x
topology: tpu7x:2x2x1
jax: 0.10.2.dev20260603
libtpu: 0.0.44.dev20260713+nightly
codegen_flags: <defaults>
</compile_context>

<pallas_src>
import functools

import jax
import jax.numpy as jnp
from jax import lax
from jax.experimental import pallas as pl
from jax.experimental.pallas import tpu as pltpu
from jax.experimental.pallas import tpu_sc as plsc

N = 100000
D = 128
C = 128
NC = 2
NS = 16
NW = NC * NS
N_CHUNKS = (N + C - 1) // C
CHUNKS_PER_W = (N_CHUNKS + NW - 1) // NW
LAST_BASE = N - C
NBUF = 4
T_TOTAL = CHUNKS_PER_W + 3


def _sc_kernel(x_hbm, din_hbm, dout_hbm, zin_hbm, zout_hbm, out_hbm,
               idx_in, idx_out, xbuf, zin_sh, zout_sh, sem_i, sem_g, sem_o):
    cid = lax.axis_index("c")
    sid = lax.axis_index("s")
    wid = sid * NC + cid

    @pl.when(sid == 0)
    def _():
        pltpu.sync_copy(zin_hbm, zin_sh)
        pltpu.sync_copy(zout_hbm, zout_sh)

    plsc.subcore_barrier()

    def drain_in(b):
        pltpu.make_async_copy(din_hbm.at[pl.ds(0, C)], idx_in.at[b], sem_i.at[b]).wait()
        pltpu.make_async_copy(dout_hbm.at[pl.ds(0, C)], idx_out.at[b], sem_i.at[b]).wait()
        pltpu.make_async_copy(x_hbm.at[pl.ds(0, C)], xbuf.at[b], sem_i.at[b]).wait()

    def drain_g(b):
        pltpu.make_async_copy(x_hbm.at[pl.ds(0, C)], xbuf.at[b], sem_g.at[b]).wait()

    def drain_o(b):
        pltpu.make_async_copy(xbuf.at[b], out_hbm.at[pl.ds(0, C)], sem_o.at[b]).wait()

    def stage_a(t, b):
        c = wid + t * NW

        @pl.when(c < N_CHUNKS)
        def _():
            @pl.when(t >= NBUF)
            def _():
                drain_o(b)
            base = jnp.minimum(c * C, LAST_BASE)
            pltpu.async_copy(din_hbm.at[pl.ds(base, C)], idx_in.at[b], sem_i.at[b])
            pltpu.async_copy(dout_hbm.at[pl.ds(base, C)], idx_out.at[b], sem_i.at[b])
            pltpu.async_copy(x_hbm.at[pl.ds(base, C)], xbuf.at[b], sem_i.at[b])

    def stage_b(t, b):
        c = wid + t * NW

        @pl.when((t >= 0) & (c < N_CHUNKS))
        def _():
            drain_in(b)
            pltpu.async_copy(zin_sh.at[idx_in.at[b]], xbuf.at[b], sem_g.at[b], add=True)

    def stage_c(t, b):
        c = wid + t * NW

        @pl.when((t >= 0) & (c < N_CHUNKS))
        def _():
            drain_g(b)
            pltpu.async_copy(zout_sh.at[idx_out.at[b]], xbuf.at[b], sem_g.at[b], add=True)

    def stage_d(t, b):
        c = wid + t * NW

        @pl.when((t >= 0) & (c < N_CHUNKS))
        def _():
            drain_g(b)
            base = jnp.minimum(c * C, LAST_BASE)
            pltpu.async_copy(xbuf.at[b], out_hbm.at[pl.ds(base, C)], sem_o.at[b])

    def outer_body(t0, carry):
        t = t0 * NBUF
        for u in range(NBUF):
            stage_d(t + u - 3, (u + 1) % NBUF)
            stage_c(t + u - 2, (u + 2) % NBUF)
            stage_b(t + u - 1, (u + 3) % NBUF)
            stage_a(t + u, u)
        return carry

    lax.fori_loop(0, T_TOTAL // NBUF, outer_body, 0)

    for t in range(CHUNKS_PER_W - NBUF - 1, CHUNKS_PER_W):
        b = t % NBUF

        @pl.when((wid + t * NW < N_CHUNKS)
                 & (wid + (t + NBUF) * NW >= N_CHUNKS))
        def _():
            drain_o(b)


@jax.jit
def _run(x, in_degree, out_degree, z_in, z_out):
    mesh = plsc.VectorSubcoreMesh(core_axis_name="c", subcore_axis_name="s")
    kern = functools.partial(
        pl.kernel,
        mesh=mesh,
        out_type=jax.ShapeDtypeStruct((N, D), jnp.float32),
        scratch_types=[
            pltpu.VMEM((NBUF, C), jnp.int32),
            pltpu.VMEM((NBUF, C), jnp.int32),
            pltpu.VMEM((NBUF, C, D), jnp.float32),
            pltpu.VMEM_SHARED((512, D), jnp.float32),
            pltpu.VMEM_SHARED((512, D), jnp.float32),
            pltpu.SemaphoreType.DMA((NBUF,)),
            pltpu.SemaphoreType.DMA((NBUF,)),
            pltpu.SemaphoreType.DMA((NBUF,)),
        ],
    )(_sc_kernel)
    return kern(x, in_degree, out_degree, z_in, z_out)


def kernel(x, in_degree, out_degree, z_in, z_out):
    return _run(x, in_degree.astype(jnp.int32), out_degree.astype(jnp.int32),
                z_in, z_out)

# --- scband reference (transcript-rebuilt; emitter-appended) ---
"""Pipeline reference for scband-centrality-encoding-72894184947750 (READ-ONLY COPY).

The authoritative reference and input builder live on the scoring server;
editing this copy changes nothing except your own understanding.
"""

import jax, jax.numpy as jnp
import numpy as np

N = 100000
NODE_DIM = 128
MAX_IN_DEG = 512
MAX_OUT_DEG = 512

def setup_inputs(seed: int = 0) -> dict:
    key = jax.random.key(seed)
    k_x, k_in, k_out, k_zin, k_zout = jax.random.split(key, 5)
    x = jax.random.normal(k_x, (N, NODE_DIM), dtype=jnp.float32)
    in_degree = jax.random.randint(k_in, (N,), 0, MAX_IN_DEG, dtype=jnp.int64 if jax.config.jax_enable_x64 else jnp.int32)
    out_degree = jax.random.randint(k_out, (N,), 0, MAX_OUT_DEG, dtype=jnp.int64 if jax.config.jax_enable_x64 else jnp.int32)
    z_in = jax.random.normal(k_zin, (MAX_IN_DEG, NODE_DIM), dtype=jnp.float32)
    z_out = jax.random.normal(k_zout, (MAX_OUT_DEG, NODE_DIM), dtype=jnp.float32)
    return {"x": x, "in_degree": in_degree, "out_degree": out_degree, "z_in": z_in, "z_out": z_out}

def reference(x, in_degree, out_degree, z_in, z_out):
    # x += z_in[in_degree] + z_out[out_degree]
    out = x + jnp.take(z_in, in_degree, axis=0) + jnp.take(z_out, out_degree, axis=0)
    return out

if __name__ == "__main__":
    import jax
    _d = setup_inputs()
    print(jax.jit(kernel)(*tuple(_d.values())))

</pallas_src>

<mosaic_0001>
#map = affine_map<(d0, d1) -> (0, 0)>
#map1 = affine_map<(d0, d1) -> (0)>
module attributes {stable_mosaic.version = 14 : i64} {
  func.func @_sc_kernel(%arg0: i32, %arg1: i32, %arg2: memref<100000x128xf32, #tpu.memory_space<hbm>>, %arg3: memref<100000xi32, #tpu.memory_space<hbm>>, %arg4: memref<100000xi32, #tpu.memory_space<hbm>>, %arg5: memref<512x128xf32, #tpu.memory_space<hbm>>, %arg6: memref<512x128xf32, #tpu.memory_space<hbm>>, %arg7: memref<100000x128xf32, #tpu.memory_space<hbm>>, %arg8: memref<4x128xi32, #tpu.memory_space<vmem>>, %arg9: memref<4x128xi32, #tpu.memory_space<vmem>>, %arg10: memref<4x128x128xf32, #tpu.memory_space<vmem>>, %arg11: memref<512x128xf32, #tpu.memory_space<vmem_shared>>, %arg12: memref<512x128xf32, #tpu.memory_space<vmem_shared>>, %arg13: memref<4x!tpu.dma_semaphore, #tpu.memory_space<semaphore_mem>>, %arg14: memref<4x!tpu.dma_semaphore, #tpu.memory_space<semaphore_mem>>, %arg15: memref<4x!tpu.dma_semaphore, #tpu.memory_space<semaphore_mem>>) attributes {dimension_semantics = [#tpu.dimension_semantics<core_parallel>, #tpu.dimension_semantics<subcore_parallel>], iteration_bounds = array<i64: 2, 16>, scalar_prefetch = 0 : i64, scratch_operands = 8 : i64, tpu.core_type = #tpu.core_type<sc_vector_subcore>, window_params = [{transform_indices = #map}, {transform_indices = #map1}, {transform_indices = #map1}, {transform_indices = #map}, {transform_indices = #map}, {transform_indices = #map}]} {
    %mul3A = arith.constant 2 : i32
    %mul3A_0 = arith.muli %arg1, %mul3A : i32
    %add3A = arith.addi %mul3A_0, %arg0 : i32
    %eq3A = arith.constant 0 : i32
    %eq3A_1 = arith.cmpi eq, %arg1, %eq3A : i32
    %convert_element_type3A = arith.extui %eq3A_1 : i1 to i32
    %cond3A = arith.constant 0 : i32
    %cond3A_2 = arith.cmpi ne, %convert_element_type3A, %cond3A : i32
    scf.if %cond3A_2 {
      "tpu.region"() ({
        %run_scoped3A = tpu.sem_alloc : memref<!tpu.dma_semaphore, #tpu.memory_space<semaphore_mem>>
        tpu.enqueue_dma source(%arg5 : memref<512x128xf32, #tpu.memory_space<hbm>>) target(%arg11 : memref<512x128xf32, #tpu.memory_space<vmem_shared>>) target_semaphore(%run_scoped3A : memref<!tpu.dma_semaphore, #tpu.memory_space<semaphore_mem>>)
        tpu.wait_dma2 semaphore(%run_scoped3A : memref<!tpu.dma_semaphore, #tpu.memory_space<semaphore_mem>>) src(%arg5 : memref<512x128xf32, #tpu.memory_space<hbm>>) dst(%arg11 : memref<512x128xf32, #tpu.memory_space<vmem_shared>>)
        tpu.yield
      }) : () -> ()
      "tpu.region"() ({
        %run_scoped3A = tpu.sem_alloc : memref<!tpu.dma_semaphore, #tpu.memory_space<semaphore_mem>>
        tpu.enqueue_dma source(%arg6 : memref<512x128xf32, #tpu.memory_space<hbm>>) target(%arg12 : memref<512x128xf32, #tpu.memory_space<vmem_shared>>) target_semaphore(%run_scoped3A : memref<!tpu.dma_semaphore, #tpu.memory_space<semaphore_mem>>)
        tpu.wait_dma2 semaphore(%run_scoped3A : memref<!tpu.dma_semaphore, #tpu.memory_space<semaphore_mem>>) src(%arg6 : memref<512x128xf32, #tpu.memory_space<hbm>>) dst(%arg12 : memref<512x128xf32, #tpu.memory_space<vmem_shared>>)
        tpu.yield
      }) : () -> ()
    } else {
    }
    %barrier3A = arith.constant 0 : index
    tpu.barrier barrier_id(%barrier3A)
    %scan3A = arith.constant 0 : i32
    %scan3A_3 = arith.constant 0 : i32
    %scan3A_4 = arith.constant 7 : i32
    %scan3A_5 = arith.addi %scan3A_3, %scan3A_4 : i32
    %scan3A_6 = arith.constant 1 : i32
    scf.for %scan3A_65 = %scan3A_3 to %scan3A_5 step %scan3A_6  : i32 {
      %mul3A_66 = arith.constant 4 : i32
      %mul3A_67 = arith.muli %scan3A_65, %mul3A_66 : i32
      %add3A_68 = arith.constant 0 : i32
      %add3A_69 = arith.addi %mul3A_67, %add3A_68 : i32
      %sub3A = arith.constant 3 : i32
      %sub3A_70 = arith.subi %add3A_69, %sub3A : i32
      %mul3A_71 = arith.constant 32 : i32
      %mul3A_72 = arith.muli %sub3A_70, %mul3A_71 : i32
      %add3A_73 = arith.addi %add3A, %mul3A_72 : i32
      %ge3A_74 = arith.constant 0 : i32
      %ge3A_75 = arith.cmpi sge, %sub3A_70, %ge3A_74 : i32
      %lt3A_76 = arith.constant 782 : i32
      %lt3A_77 = arith.cmpi slt, %add3A_73, %lt3A_76 : i32
      %and3A_78 = arith.andi %ge3A_75, %lt3A_77 : i1
      %convert_element_type3A_79 = arith.extui %and3A_78 : i1 to i32
      %cond3A_80 = arith.constant 0 : i32
      %cond3A_81 = arith.cmpi ne, %convert_element_type3A_79, %cond3A_80 : i32
      scf.if %cond3A_81 {
        %dma_wait3A = arith.constant 1 : i32
        %dma_wait3A_287 = arith.constant 1 : i32
        %dma_wait3A_288 = arith.constant 0 : i32
        %dma_wait3A_289 = arith.constant 0 : i32
        %dma_wait3A_290 = tpu.memref_slice %arg10[%dma_wait3A, %dma_wait3A_288, %dma_wait3A_289] : memref<4x128x128xf32, #tpu.memory_space<vmem>> -> memref<1x128x128xf32, #tpu.memory_space<vmem>>
        %dma_wait3A_291 = tpu.memref_squeeze %dma_wait3A_290 : memref<1x128x128xf32, #tpu.memory_space<vmem>> -> memref<128x128xf32, #tpu.memory_space<vmem>>
        %dma_wait3A_292 = arith.constant 0 : i32
        %dma_wait3A_293 = arith.constant 0 : i32
        %dma_wait3A_294 = tpu.memref_slice %arg2[%dma_wait3A_292, %dma_wait3A_293] : memref<100000x128xf32, #tpu.memory_space<hbm>> -> memref<128x128xf32, #tpu.memory_space<hbm>>
        %dma_wait3A_295 = tpu.memref_slice %arg14[%dma_wait3A_287] : memref<4x!tpu.dma_semaphore, #tpu.memory_space<semaphore_mem>> -> memref<1x!tpu.dma_semaphore, #tpu.memory_space<semaphore_mem>>
        %dma_wait3A_296 = tpu.memref_squeeze %dma_wait3A_295 : memref<1x!tpu.dma_semaphore, #tpu.memory_space<semaphore_mem>> -> memref<!tpu.dma_semaphore, #tpu.memory_space<semaphore_mem>>
        %dma_wait3A_297 = arith.constant 0 : i32
        %dma_wait3A_298 = arith.constant 0 : i32
        %dma_wait3A_299 = tpu.memref_slice %arg10[%dma_wait3A, %dma_wait3A_297, %dma_wait3A_298] : memref<4x128x128xf32, #tpu.memory_space<vmem>> -> memref<1x128x128xf32, #tpu.memory_space<vmem>>
        %dma_wait3A_300 = tpu.memref_squeeze %dma_wait3A_299 : memref<1x128x128xf32, #tpu.memory_space<vmem>> -> memref<128x128xf32, #tpu.memory_space<vmem>>
        %dma_wait3A_301 = arith.constant 0 : i32
        %dma_wait3A_302 = arith.constant 0 : i32
        %dma_wait3A_303 = tpu.memref_slice %arg2[%dma_wait3A_301, %dma_wait3A_302] : memref<100000x128xf32, #tpu.memory_space<hbm>> -> memref<128x128xf32, #tpu.memory_space<hbm>>
        tpu.wait_dma2 semaphore(%dma_wait3A_296 : memref<!tpu.dma_semaphore, #tpu.memory_space<semaphore_mem>>) src(%dma_wait3A_303 : memref<128x128xf32, #tpu.memory_space<hbm>>) dst(%dma_wait3A_300 : memref<128x128xf32, #tpu.memory_space<vmem>>)
        %mul3A_304 = arith.constant 128 : i32
        %mul3A_305 = arith.muli %add3A_73, %mul3A_304 : i32
        %min3A = arith.constant 99872 : i32
        %min3A_306 = arith.minsi %mul3A_305, %min3A : i32
        %dma_start3A = arith.constant 1 : i32
        %dma_start3A_307 = arith.constant 1 : i32
        %dma_start3A_308 = arith.constant 0 : i32
        %dma_start3A_309 = arith.constant 0 : i32
        %dma_start3A_310 = tpu.memref_slice %arg10[%dma_start3A, %dma_start3A_308, %dma_start3A_309] : memref<4x128x128xf32, #tpu.memory_space<vmem>> -> memref<1x128x128xf32, #tpu.memory_space<vmem>>
        %dma_start3A_311 = tpu.memref_squeeze %dma_start3A_310 : memref<1x128x128xf32, #tpu.memory_space<vmem>> -> memref<128x128xf32, #tpu.memory_space<vmem>>
        %dma_start3A_312 = arith.constant 0 : i32
        %dma_start3A_313 = tpu.memref_slice %arg7[%min3A_306, %dma_start3A_312] : memref<100000x128xf32, #tpu.memory_space<hbm>> -> memref<128x128xf32, #tpu.memory_space<hbm>>
        %dma_start3A_314 = tpu.memref_slice %arg15[%dma_start3A_307] : memref<4x!tpu.dma_semaphore, #tpu.memory_space<semaphore_mem>> -> memref<1x!tpu.dma_semaphore, #tpu.memory_space<semaphore_mem>>
        %dma_start3A_315 = tpu.memref_squeeze %dma_start3A_314 : memref<1x!tpu.dma_semaphore, #tpu.memory_space<semaphore_mem>> -> memref<!tpu.dma_semaphore, #tpu.memory_space<semaphore_mem>>
        %dma_start3A_316 = arith.constant 0 : i32
        %dma_start3A_317 = tpu.memref_slice %arg7[%min3A_306, %dma_start3A_316] : memref<100000x128xf32, #tpu.memory_space<hbm>> -> memref<128x128xf32, #tpu.memory_space<hbm>>
        %dma_start3A_318 = arith.constant 0 : i32
        %dma_start3A_319 = arith.constant 0 : i32
        %dma_start3A_320 = tpu.memref_slice %arg10[%dma_start3A, %dma_start3A_318, %dma_start3A_319] : memref<4x128x128xf32, #tpu.memory_space<vmem>> -> memref<1x128x128xf32, #tpu.memory_space<vmem>>
        %dma_start3A_321 = tpu.memref_squeeze %dma_start3A_320 : memref<1x128x128xf32, #tpu.memory_space<vmem>> -> memref<128x128xf32, #tpu.memory_space<vmem>>
        tpu.enqueue_dma source(%dma_start3A_321 : memref<128x128xf32, #tpu.memory_space<vmem>>) target(%dma_start3A_317 : memref<128x128xf32, #tpu.memory_space<hbm>>) target_semaphore(%dma_start3A_315 : memref<!tpu.dma_semaphore, #tpu.memory_space<semaphore_mem>>)
      } else {
      }
      %add3A_82 = arith.constant 0 : i32
      %add3A_83 = arith.addi %mul3A_67, %add3A_82 : i32
      %sub3A_84 = arith.constant 2 : i32
      %sub3A_85 = arith.subi %add3A_83, %sub3A_84 : i32
      %mul3A_86 = arith.constant 32 : i32
      %mul3A_87 = arith.muli %sub3A_85, %mul3A_86 : i32
      %add3A_88 = arith.addi %add3A, %mul3A_87 : i32
      %ge3A_89 = arith.constant 0 : i32
      %ge3A_90 = arith.cmpi sge, %sub3A_85, %ge3A_89 : i32
      %lt3A_91 = arith.constant 782 : i32
      %lt3A_92 = arith.cmpi slt, %add3A_88, %lt3A_91 : i32
      %and3A_93 = arith.andi %ge3A_90, %lt3A_92 : i1
      %convert_element_type3A_94 = arith.extui %and3A_93 : i1 to i32
      %cond3A_95 = arith.constant 0 : i32
      %cond3A_96 = arith.cmpi ne, %convert_element_type3A_94, %cond3A_95 : i32
      scf.if %cond3A_96 {
        %dma_wait3A = arith.constant 2 : i32
        %dma_wait3A_287 = arith.constant 2 : i32
        %dma_wait3A_288 = arith.constant 0 : i32
        %dma_wait3A_289 = arith.constant 0 : i32
        %dma_wait3A_290 = tpu.memref_slice %arg10[%dma_wait3A, %dma_wait3A_288, %dma_wait3A_289] : memref<4x128x128xf32, #tpu.memory_space<vmem>> -> memref<1x128x128xf32, #tpu.memory_space<vmem>>
        %dma_wait3A_291 = tpu.memref_squeeze %dma_wait3A_290 : memref<1x128x128xf32, #tpu.memory_space<vmem>> -> memref<128x128xf32, #tpu.memory_space<vmem>>
        %dma_wait3A_292 = arith.constant 0 : i32
        %dma_wait3A_293 = arith.constant 0 : i32
        %dma_wait3A_294 = tpu.memref_slice %arg2[%dma_wait3A_292, %dma_wait3A_293] : memref<100000x128xf32, #tpu.memory_space<hbm>> -> memref<128x128xf32, #tpu.memory_space<hbm>>
        %dma_wait3A_295 = tpu.memref_slice %arg14[%dma_wait3A_287] : memref<4x!tpu.dma_semaphore, #tpu.memory_space<semaphore_mem>> -> memref<1x!tpu.dma_semaphore, #tpu.memory_space<semaphore_mem>>
        %dma_wait3A_296 = tpu.memref_squeeze %dma_wait3A_295 : memref<1x!tpu.dma_semaphore, #tpu.memory_space<semaphore_mem>> -> memref<!tpu.dma_semaphore, #tpu.memory_space<semaphore_mem>>
        %dma_wait3A_297 = arith.constant 0 : i32
        %dma_wait3A_298 = arith.constant 0 : i32
        %dma_wait3A_299 = tpu.memref_slice %arg10[%dma_wait3A, %dma_wait3A_297, %dma_wait3A_298] : memref<4x128x128xf32, #tpu.memory_space<vmem>> -> memref<1x128x128xf32, #tpu.memory_space<vmem>>
        %dma_wait3A_300 = tpu.memref_squeeze %dma_wait3A_299 : memref<1x128x128xf32, #tpu.memory_space<vmem>> -> memref<128x128xf32, #tpu.memory_space<vmem>>
        %dma_wait3A_301 = arith.constant 0 : i32
        %dma_wait3A_302 = arith.constant 0 : i32
        %dma_wait3A_303 = tpu.memref_slice %arg2[%dma_wait3A_301, %dma_wait3A_302] : memref<100000x128xf32, #tpu.memory_space<hbm>> -> memref<128x128xf32, #tpu.memory_space<hbm>>
        tpu.wait_dma2 semaphore(%dma_wait3A_296 : memref<!tpu.dma_semaphore, #tpu.memory_space<semaphore_mem>>) src(%dma_wait3A_303 : memref<128x128xf32, #tpu.memory_space<hbm>>) dst(%dma_wait3A_300 : memref<128x128xf32, #tpu.memory_space<vmem>>)
        %dma_start3A = arith.constant 2 : i32
        %dma_start3A_304 = arith.constant 2 : i32
        %dma_start3A_305 = arith.constant 2 : i32
        %dma_start3A_306 = arith.constant 0 : i32
        %dma_start3A_307 = arith.constant 0 : i32
        %dma_start3A_308 = tpu.memref_slice %arg10[%dma_start3A_304, %dma_start3A_306, %dma_start3A_307] : memref<4x128x128xf32, #tpu.memory_space<vmem>> -> memref<1x128x128xf32, #tpu.memory_space<vmem>>
        %dma_start3A_309 = tpu.memref_squeeze %dma_start3A_308 : memref<1x128x128xf32, #tpu.memory_space<vmem>> -> memref<128x128xf32, #tpu.memory_space<vmem>>
        %dma_start3A_310 = arith.constant 0 : i32
        %dma_start3A_311 = tpu.memref_slice %arg9[%dma_start3A, %dma_start3A_310] : memref<4x128xi32, #tpu.memory_space<vmem>> -> memref<1x128xi32, #tpu.memory_space<vmem>>
        %dma_start3A_312 = tpu.memref_squeeze %dma_start3A_311 : memref<1x128xi32, #tpu.memory_space<vmem>> -> memref<128xi32, #tpu.memory_space<vmem>>
        %dma_start3A_313 = arith.constant 0 : i32
        %dma_start3A_314 = arith.constant 0 : i32
        %dma_start3A_315 = tpu.memref_slice %arg12[%dma_start3A_313, %dma_start3A_314] : memref<512x128xf32, #tpu.memory_space<vmem_shared>> -> memref<512x128xf32, #tpu.memory_space<vmem_shared>>
        %dma_start3A_316 = tpu.memref_slice %arg14[%dma_start3A_305] : memref<4x!tpu.dma_semaphore, #tpu.memory_space<semaphore_mem>> -> memref<1x!tpu.dma_semaphore, #tpu.memory_space<semaphore_mem>>
        %dma_start3A_317 = tpu.memref_squeeze %dma_start3A_316 : memref<1x!tpu.dma_semaphore, #tpu.memory_space<semaphore_mem>> -> memref<!tpu.dma_semaphore, #tpu.memory_space<semaphore_mem>>
        tpu.enqueue_indirect_dma source(%dma_start3A_315 : memref<512x128xf32, #tpu.memory_space<vmem_shared>>) target(%dma_start3A_309 : memref<128x128xf32, #tpu.memory_space<vmem>>) offsets(%dma_start3A_312 : memref<128xi32, #tpu.memory_space<vmem>>) semaphore(%dma_start3A_317 : memref<!tpu.dma_semaphore, #tpu.memory_space<semaphore_mem>>) {add = true}
      } else {
      }
      %add3A_97 = arith.constant 0 : i32
      %add3A_98 = arith.addi %mul3A_67, %add3A_97 : i32
      %sub3A_99 = arith.constant 1 : i32
      %sub3A_100 = arith.subi %add3A_98, %sub3A_99 : i32
      %mul3A_101 = arith.constant 32 : i32
      %mul3A_102 = arith.muli %sub3A_100, %mul3A_101 : i32
      %add3A_103 = arith.addi %add3A, %mul3A_102 : i32
      %ge3A_104 = arith.constant 0 : i32
      %ge3A_105 = arith.cmpi sge, %sub3A_100, %ge3A_104 : i32
      %lt3A_106 = arith.constant 782 : i32
      %lt3A_107 = arith.cmpi slt, %add3A_103, %lt3A_106 : i32
      %and3A_108 = arith.andi %ge3A_105, %lt3A_107 : i1
      %convert_element_type3A_109 = arith.extui %and3A_108 : i1 to i32
      %cond3A_110 = arith.constant 0 : i32
      %cond3A_111 = arith.cmpi ne, %convert_element_type3A_109, %cond3A_110 : i32
      scf.if %cond3A_111 {
        %dma_wait3A = arith.constant 3 : i32
        %dma_wait3A_287 = arith.constant 3 : i32
        %dma_wait3A_288 = arith.constant 0 : i32
        %dma_wait3A_289 = tpu.memref_slice %arg8[%dma_wait3A, %dma_wait3A_288] : memref<4x128xi32, #tpu.memory_space<vmem>> -> memref<1x128xi32, #tpu.memory_space<vmem>>
        %dma_wait3A_290 = tpu.memref_squeeze %dma_wait3A_289 : memref<1x128xi32, #tpu.memory_space<vmem>> -> memref<128xi32, #tpu.memory_space<vmem>>
        %dma_wait3A_291 = arith.constant 0 : i32
        %dma_wait3A_292 = tpu.memref_slice %arg3[%dma_wait3A_291] : memref<100000xi32, #tpu.memory_space<hbm>> -> memref<128xi32, #tpu.memory_space<hbm>>
        %dma_wait3A_293 = tpu.memref_slice %arg13[%dma_wait3A_287] : memref<4x!tpu.dma_semaphore, #tpu.memory_space<semaphore_mem>> -> memref<1x!tpu.dma_semaphore, #tpu.memory_space<semaphore_mem>>
        %dma_wait3A_294 = tpu.memref_squeeze %dma_wait3A_293 : memref<1x!tpu.dma_semaphore, #tpu.memory_space<semaphore_mem>> -> memref<!tpu.dma_semaphore, #tpu.memory_space<semaphore_mem>>
        %dma_wait3A_295 = arith.constant 0 : i32
        %dma_wait3A_296 = tpu.memref_slice %arg8[%dma_wait3A, %dma_wait3A_295] : memref<4x128xi32, #tpu.memory_space<vmem>> -> memref<1x128xi32, #tpu.memory_space<vmem>>
        %dma_wait3A_297 = tpu.memref_squeeze %dma_wait3A_296 : memref<1x128xi32, #tpu.memory_space<vmem>> -> memref<128xi32, #tpu.memory_space<vmem>>
        %dma_wait3A_298 = arith.constant 0 : i32
        %dma_wait3A_299 = tpu.memref_slice %arg3[%dma_wait3A_298] : memref<100000xi32, #tpu.memory_space<hbm>> -> memref<128xi32, #tpu.memory_space<hbm>>
        tpu.wait_dma2 semaphore(%dma_wait3A_294 : memref<!tpu.dma_semaphore, #tpu.memory_space<semaphore_mem>>) src(%dma_wait3A_299 : memref<128xi32, #tpu.memory_space<hbm>>) dst(%dma_wait3A_297 : memref<128xi32, #tpu.memory_space<vmem>>)
        %dma_wait3A_300 = arith.constant 3 : i32
        %dma_wait3A_301 = arith.constant 3 : i32
        %dma_wait3A_302 = arith.constant 0 : i32
        %dma_wait3A_303 = tpu.memref_slice %arg9[%dma_wait3A_300, %dma_wait3A_302] : memref<4x128xi32, #tpu.memory_space<vmem>> -> memref<1x128xi32, #tpu.memory_space<vmem>>
        %dma_wait3A_304 = tpu.memref_squeeze %dma_wait3A_303 : memref<1x128xi32, #tpu.memory_space<vmem>> -> memref<128xi32, #tpu.memory_space<vmem>>
        %dma_wait3A_305 = arith.constant 0 : i32
        %dma_wait3A_306 = tpu.memref_slice %arg4[%dma_wait3A_305] : memref<100000xi32, #tpu.memory_space<hbm>> -> memref<128xi32, #tpu.memory_space<hbm>>
        %dma_wait3A_307 = tpu.memref_slice %arg13[%dma_wait3A_301] : memref<4x!tpu.dma_semaphore, #tpu.memory_space<semaphore_mem>> -> memref<1x!tpu.dma_semaphore, #tpu.memory_space<semaphore_mem>>
        %dma_wait3A_308 = tpu.memref_squeeze %dma_wait3A_307 : memref<1x!tpu.dma_semaphore, #tpu.memory_space<semaphore_mem>> -> memref<!tpu.dma_semaphore, #tpu.memory_space<semaphore_mem>>
        %dma_wait3A_309 = arith.constant 0 : i32
        %dma_wait3A_310 = tpu.memref_slice %arg9[%dma_wait3A_300, %dma_wait3A_309] : memref<4x128xi32, #tpu.memory_space<vmem>> -> memref<1x128xi32, #tpu.memory_space<vmem>>
        %dma_wait3A_311 = tpu.memref_squeeze %dma_wait3A_310 : memref<1x128xi32, #tpu.memory_space<vmem>> -> memref<128xi32, #tpu.memory_space<vmem>>
        %dma_wait3A_312 = arith.constant 0 : i32
        %dma_wait3A_313 = tpu.memref_slice %arg4[%dma_wait3A_312] : memref<100000xi32, #tpu.memory_space<hbm>> -> memref<128xi32, #tpu.memory_space<hbm>>
        tpu.wait_dma2 semaphore(%dma_wait3A_308 : memref<!tpu.dma_semaphore, #tpu.memory_space<semaphore_mem>>) src(%dma_wait3A_313 : memref<128xi32, #tpu.memory_space<hbm>>) dst(%dma_wait3A_311 : memref<128xi32, #tpu.memory_space<vmem>>)
        %dma_wait3A_314 = arith.constant 3 : i32
        %dma_wait3A_315 = arith.constant 3 : i32
        %dma_wait3A_316 = arith.constant 0 : i32
        %dma_wait3A_317 = arith.constant 0 : i32
        %dma_wait3A_318 = tpu.memref_slice %arg10[%dma_wait3A_314, %dma_wait3A_316, %dma_wait3A_317] : memref<4x128x128xf32, #tpu.memory_space<vmem>> -> memref<1x128x128xf32, #tpu.memory_space<vmem>>
        %dma_wait3A_319 = tpu.memref_squeeze %dma_wait3A_318 : memref<1x128x128xf32, #tpu.memory_space<vmem>> -> memref<128x128xf32, #tpu.memory_space<vmem>>
        %dma_wait3A_320 = arith.constant 0 : i32
        %dma_wait3A_321 = arith.constant 0 : i32
        %dma_wait3A_322 = tpu.memref_slice %arg2[%dma_wait3A_320, %dma_wait3A_321] : memref<100000x128xf32, #tpu.memory_space<hbm>> -> memref<128x128xf32, #tpu.memory_space<hbm>>
        %dma_wait3A_323 = tpu.memref_slice %arg13[%dma_wait3A_315] : memref<4x!tpu.dma_semaphore, #tpu.memory_space<semaphore_mem>> -> memref<1x!tpu.dma_semaphore, #tpu.memory_space<semaphore_mem>>
        %dma_wait3A_324 = tpu.memref_squeeze %dma_wait3A_323 : memref<1x!tpu.dma_semaphore, #tpu.memory_space<semaphore_mem>> -> memref<!tpu.dma_semaphore, #tpu.memory_space<semaphore_mem>>
        %dma_wait3A_325 = arith.constant 0 : i32
        %dma_wait3A_326 = arith.constant 0 : i32
        %dma_wait3A_327 = tpu.memref_slice %arg10[%dma_wait3A_314, %dma_wait3A_325, %dma_wait3A_326] : memref<4x128x128xf32, #tpu.memory_space<vmem>> -> memref<1x128x128xf32, #tpu.memory_space<vmem>>
        %dma_wait3A_328 = tpu.memref_squeeze %dma_wait3A_327 : memref<1x128x128xf32, #tpu.memory_space<vmem>> -> memref<128x128xf32, #tpu.memory_space<vmem>>
        %dma_wait3A_329 = arith.constant 0 : i32
        %dma_wait3A_330 = arith.constant 0 : i32
        %dma_wait3A_331 = tpu.memref_slice %arg2[%dma_wait3A_329, %dma_wait3A_330] : memref<100000x128xf32, #tpu.memory_space<hbm>> -> memref<128x128xf32, #tpu.memory_space<hbm>>
        tpu.wait_dma2 semaphore(%dma_wait3A_324 : memref<!tpu.dma_semaphore, #tpu.memory_space<semaphore_mem>>) src(%dma_wait3A_331 : memref<128x128xf32, #tpu.memory_space<hbm>>) dst(%dma_wait3A_328 : memref<128x128xf32, #tpu.memory_space<vmem>>)
        %dma_start3A = arith.constant 3 : i32
        %dma_start3A_332 = arith.constant 3 : i32
        %dma_start3A_333 = arith.constant 3 : i32
        %dma_start3A_334 = arith.constant 0 : i32
        %dma_start3A_335 = arith.constant 0 : i32
        %dma_start3A_336 = tpu.memref_slice %arg10[%dma_start3A_332, %dma_start3A_334, %dma_start3A_335] : memref<4x128x128xf32, #tpu.memory_space<vmem>> -> memref<1x128x128xf32, #tpu.memory_space<vmem>>
        %dma_start3A_337 = tpu.memref_squeeze %dma_start3A_336 : memref<1x128x128xf32, #tpu.memory_space<vmem>> -> memref<128x128xf32, #tpu.memory_space<vmem>>
        %dma_start3A_338 = arith.constant 0 : i32
        %dma_start3A_339 = tpu.memref_slice %arg8[%dma_start3A, %dma_start3A_338] : memref<4x128xi32, #tpu.memory_space<vmem>> -> memref<1x128xi32, #tpu.memory_space<vmem>>
        %dma_start3A_340 = tpu.memref_squeeze %dma_start3A_339 : memref<1x128xi32, #tpu.memory_space<vmem>> -> memref<128xi32, #tpu.memory_space<vmem>>
        %dma_start3A_341 = arith.constant 0 : i32
        %dma_start3A_342 = arith.constant 0 : i32
        %dma_start3A_343 = tpu.memref_slice %arg11[%dma_start3A_341, %dma_start3A_342] : memref<512x128xf32, #tpu.memory_space<vmem_shared>> -> memref<512x128xf32, #tpu.memory_space<vmem_shared>>
        %dma_start3A_344 = tpu.memref_slice %arg14[%dma_start3A_333] : memref<4x!tpu.dma_semaphore, #tpu.memory_space<semaphore_mem>> -> memref<1x!tpu.dma_semaphore, #tpu.memory_space<semaphore_mem>>
        %dma_start3A_345 = tpu.memref_squeeze %dma_start3A_344 : memref<1x!tpu.dma_semaphore, #tpu.memory_space<semaphore_mem>> -> memref<!tpu.dma_semaphore, #tpu.memory_space<semaphore_mem>>
        tpu.enqueue_indirect_dma source(%dma_start3A_343 : memref<512x128xf32, #tpu.memory_space<vmem_shared>>) target(%dma_start3A_337 : memref<128x128xf32, #tpu.memory_space<vmem>>) offsets(%dma_start3A_340 : memref<128xi32, #tpu.memory_space<vmem>>) semaphore(%dma_start3A_345 : memref<!tpu.dma_semaphore, #tpu.memory_space<semaphore_mem>>) {add = true}
      } else {
      }
      %add3A_112 = arith.constant 0 : i32
      %add3A_113 = arith.addi %mul3A_67, %add3A_112 : i32
      %mul3A_114 = arith.constant 32 : i32
      %mul3A_115 = arith.muli %add3A_113, %mul3A_114 : i32
      %add3A_116 = arith.addi %add3A, %mul3A_115 : i32
      %lt3A_117 = arith.constant 782 : i32
      %lt3A_118 = arith.cmpi slt, %add3A_116, %lt3A_117 : i32
      %convert_element_type3A_119 = arith.extui %lt3A_118 : i1 to i32
      %cond3A_120 = arith.constant 0 : i32
      %cond3A_121 = arith.cmpi ne, %convert_element_type3A_119, %cond3A_120 : i32
      scf.if %cond3A_121 {
        %ge3A_287 = arith.constant 4 : i32
        %ge3A_288 = arith.cmpi sge, %add3A_113, %ge3A_287 : i32
        %convert_element_type3A_289 = arith.extui %ge3A_288 : i1 to i32
        %cond3A_290 = arith.constant 0 : i32
        %cond3A_291 = arith.cmpi ne, %convert_element_type3A_289, %cond3A_290 : i32
        scf.if %cond3A_291 {
          %dma_wait3A = arith.constant 0 : i32
          %dma_wait3A_334 = arith.constant 0 : i32
          %dma_wait3A_335 = arith.constant 0 : i32
          %dma_wait3A_336 = arith.constant 0 : i32
          %dma_wait3A_337 = tpu.memref_slice %arg10[%dma_wait3A, %dma_wait3A_335, %dma_wait3A_336] : memref<4x128x128xf32, #tpu.memory_space<vmem>> -> memref<1x128x128xf32, #tpu.memory_space<vmem>>
          %dma_wait3A_338 = tpu.memref_squeeze %dma_wait3A_337 : memref<1x128x128xf32, #tpu.memory_space<vmem>> -> memref<128x128xf32, #tpu.memory_space<vmem>>
          %dma_wait3A_339 = arith.constant 0 : i32
          %dma_wait3A_340 = arith.constant 0 : i32
          %dma_wait3A_341 = tpu.memref_slice %arg7[%dma_wait3A_339, %dma_wait3A_340] : memref<100000x128xf32, #tpu.memory_space<hbm>> -> memref<128x128xf32, #tpu.memory_space<hbm>>
          %dma_wait3A_342 = tpu.memref_slice %arg15[%dma_wait3A_334] : memref<4x!tpu.dma_semaphore, #tpu.memory_space<semaphore_mem>> -> memref<1x!tpu.dma_semaphore, #tpu.memory_space<semaphore_mem>>
          %dma_wait3A_343 = tpu.memref_squeeze %dma_wait3A_342 : memref<1x!tpu.dma_semaphore, #tpu.memory_space<semaphore_mem>> -> memref<!tpu.dma_semaphore, #tpu.memory_space<semaphore_mem>>
          %dma_wait3A_344 = arith.constant 0 : i32
          %dma_wait3A_345 = arith.constant 0 : i32
          %dma_wait3A_346 = tpu.memref_slice %arg7[%dma_wait3A_344, %dma_wait3A_345] : memref<100000x128xf32, #tpu.memory_space<hbm>> -> memref<128x128xf32, #tpu.memory_space<hbm>>
          %dma_wait3A_347 = arith.constant 0 : i32
          %dma_wait3A_348 = arith.constant 0 : i32
          %dma_wait3A_349 = tpu.memref_slice %arg10[%dma_wait3A, %dma_wait3A_347, %dma_wait3A_348] : memref<4x128x128xf32, #tpu.memory_space<vmem>> -> memref<1x128x128xf32, #tpu.memory_space<vmem>>
          %dma_wait3A_350 = tpu.memref_squeeze %dma_wait3A_349 : memref<1x128x128xf32, #tpu.memory_space<vmem>> -> memref<128x128xf32, #tpu.memory_space<vmem>>
          tpu.wait_dma2 semaphore(%dma_wait3A_343 : memref<!tpu.dma_semaphore, #tpu.memory_space<semaphore_mem>>) src(%dma_wait3A_350 : memref<128x128xf32, #tpu.memory_space<vmem>>) dst(%dma_wait3A_346 : memref<128x128xf32, #tpu.memory_space<hbm>>)
        } else {
        }
        %mul3A_292 = arith.constant 128 : i32
        %mul3A_293 = arith.muli %add3A_116, %mul3A_292 : i32
        %min3A = arith.constant 99872 : i32
        %min3A_294 = arith.minsi %mul3A_293, %min3A : i32
        %dma_start3A = arith.constant 0 : i32
        %dma_start3A_295 = arith.constant 0 : i32
        %dma_start3A_296 = arith.constant 0 : i32
        %dma_start3A_297 = tpu.memref_slice %arg8[%dma_start3A, %dma_start3A_296] : memref<4x128xi32, #tpu.memory_space<vmem>> -> memref<1x128xi32, #tpu.memory_space<vmem>>
        %dma_start3A_298 = tpu.memref_squeeze %dma_start3A_297 : memref<1x128xi32, #tpu.memory_space<vmem>> -> memref<128xi32, #tpu.memory_space<vmem>>
        %dma_start3A_299 = tpu.memref_slice %arg3[%min3A_294] : memref<100000xi32, #tpu.memory_space<hbm>> -> memref<128xi32, #tpu.memory_space<hbm>>
        %dma_start3A_300 = tpu.memref_slice %arg13[%dma_start3A_295] : memref<4x!tpu.dma_semaphore, #tpu.memory_space<semaphore_mem>> -> memref<1x!tpu.dma_semaphore, #tpu.memory_space<semaphore_mem>>
        %dma_start3A_301 = tpu.memref_squeeze %dma_start3A_300 : memref<1x!tpu.dma_semaphore, #tpu.memory_space<semaphore_mem>> -> memref<!tpu.dma_semaphore, #tpu.memory_space<semaphore_mem>>
        %dma_start3A_302 = arith.constant 0 : i32
        %dma_start3A_303 = tpu.memref_slice %arg8[%dma_start3A, %dma_start3A_302] : memref<4x128xi32, #tpu.memory_space<vmem>> -> memref<1x128xi32, #tpu.memory_space<vmem>>
        %dma_start3A_304 = tpu.memref_squeeze %dma_start3A_303 : memref<1x128xi32, #tpu.memory_space<vmem>> -> memref<128xi32, #tpu.memory_space<vmem>>
        %dma_start3A_305 = tpu.memref_slice %arg3[%min3A_294] : memref<100000xi32, #tpu.memory_space<hbm>> -> memref<128xi32, #tpu.memory_space<hbm>>
        tpu.enqueue_dma source(%dma_start3A_305 : memref<128xi32, #tpu.memory_space<hbm>>) target(%dma_start3A_304 : memref<128xi32, #tpu.memory_space<vmem>>) target_semaphore(%dma_start3A_301 : memref<!tpu.dma_semaphore, #tpu.memory_space<semaphore_mem>>)
        %dma_start3A_306 = arith.constant 0 : i32
        %dma_start3A_307 = arith.constant 0 : i32
        %dma_start3A_308 = arith.constant 0 : i32
        %dma_start3A_309 = tpu.memref_slice %arg9[%dma_start3A_306, %dma_start3A_308] : memref<4x128xi32, #tpu.memory_space<vmem>> -> memref<1x128xi32, #tpu.memory_space<vmem>>
        %dma_start3A_310 = tpu.memref_squeeze %dma_start3A_309 : memref<1x128xi32, #tpu.memory_space<vmem>> -> memref<128xi32, #tpu.memory_space<vmem>>
        %dma_start3A_311 = tpu.memref_slice %arg4[%min3A_294] : memref<100000xi32, #tpu.memory_space<hbm>> -> memref<128xi32, #tpu.memory_space<hbm>>
        %dma_start3A_312 = tpu.memref_slice %arg13[%dma_start3A_307] : memref<4x!tpu.dma_semaphore, #tpu.memory_space<semaphore_mem>> -> memref<1x!tpu.dma_semaphore, #tpu.memory_space<semaphore_mem>>
        %dma_start3A_313 = tpu.memref_squeeze %dma_start3A_312 : memref<1x!tpu.dma_semaphore, #tpu.memory_space<semaphore_mem>> -> memref<!tpu.dma_semaphore, #tpu.memory_space<semaphore_mem>>
        %dma_start3A_314 = arith.constant 0 : i32
        %dma_start3A_315 = tpu.memref_slice %arg9[%dma_start3A_306, %dma_start3A_314] : memref<4x128xi32, #tpu.memory_space<vmem>> -> memref<1x128xi32, #tpu.memory_space<vmem>>
        %dma_start3A_316 = tpu.memref_squeeze %dma_start3A_315 : memref<1x128xi32, #tpu.memory_space<vmem>> -> memref<128xi32, #tpu.memory_space<vmem>>
        %dma_start3A_317 = tpu.memref_slice %arg4[%min3A_294] : memref<100000xi32, #tpu.memory_space<hbm>> -> memref<128xi32, #tpu.memory_space<hbm>>
        tpu.enqueue_dma source(%dma_start3A_317 : memref<128xi32, #tpu.memory_space<hbm>>) target(%dma_start3A_316 : memref<128xi32, #tpu.memory_space<vmem>>) target_semaphore(%dma_start3A_313 : memref<!tpu.dma_semaphore, #tpu.memory_space<semaphore_mem>>)
        %dma_start3A_318 = arith.constant 0 : i32
        %dma_start3A_319 = arith.constant 0 : i32
        %dma_start3A_320 = arith.constant 0 : i32
        %dma_start3A_321 = arith.constant 0 : i32
        %dma_start3A_322 = tpu.memref_slice %arg10[%dma_start3A_318, %dma_start3A_320, %dma_start3A_321] : memref<4x128x128xf32, #tpu.memory_space<vmem>> -> memref<1x128x128xf32, #tpu.memory_space<vmem>>
        %dma_start3A_323 = tpu.memref_squeeze %dma_start3A_322 : memref<1x128x128xf32, #tpu.memory_space<vmem>> -> memref<128x128xf32, #tpu.memory_space<vmem>>
        %dma_start3A_324 = arith.constant 0 : i32
        %dma_start3A_325 = tpu.memref_slice %arg2[%min3A_294, %dma_start3A_324] : memref<100000x128xf32, #tpu.memory_space<hbm>> -> memref<128x128xf32, #tpu.memory_space<hbm>>
        %dma_start3A_326 = tpu.memref_slice %arg13[%dma_start3A_319] : memref<4x!tpu.dma_semaphore, #tpu.memory_space<semaphore_mem>> -> memref<1x!tpu.dma_semaphore, #tpu.memory_space<semaphore_mem>>
        %dma_start3A_327 = tpu.memref_squeeze %dma_start3A_326 : memref<1x!tpu.dma_semaphore, #tpu.memory_space<semaphore_mem>> -> memref<!tpu.dma_semaphore, #tpu.memory_space<semaphore_mem>>
        %dma_start3A_328 = arith.constant 0 : i32
        %dma_start3A_329 = arith.constant 0 : i32
        %dma_start3A_330 = tpu.memref_slice %arg10[%dma_start3A_318, %dma_start3A_328, %dma_start3A_329] : memref<4x128x128xf32, #tpu.memory_space<vmem>> -> memref<1x128x128xf32, #tpu.memory_space<vmem>>
        %dma_start3A_331 = tpu.memref_squeeze %dma_start3A_330 : memref<1x128x128xf32, #tpu.memory_space<vmem>> -> memref<128x128xf32, #tpu.memory_space<vmem>>
        %dma_start3A_332 = arith.constant 0 : i32
        %dma_start3A_333 = tpu.memref_slice %arg2[%min3A_294, %dma_start3A_332] : memref<100000x128xf32, #tpu.memory_space<hbm>> -> memref<128x128xf32, #tpu.memory_space<hbm>>
        tpu.enqueue_dma source(%dma_start3A_333 : memref<128x128xf32, #tpu.memory_space<hbm>>) target(%dma_start3A_331 : memref<128x128xf32, #tpu.memory_space<vmem>>) target_semaphore(%dma_start3A_327 : memref<!tpu.dma_semaphore, #tpu.memory_space<semaphore_mem>>)
      } else {
      }
      %add3A_122 = arith.constant 1 : i32
      %add3A_123 = arith.addi %mul3A_67, %add3A_122 : i32
      %sub3A_124 = arith.constant 3 : i32
      %sub3A_125 = arith.subi %add3A_123, %sub3A_124 : i32
      %mul3A_126 = arith.constant 32 : i32
      %mul3A_127 = arith.muli %sub3A_125, %mul3A_126 : i32
      %add3A_128 = arith.addi %add3A, %mul3A_127 : i32
      %ge3A_129 = arith.constant 0 : i32
      %ge3A_130 = arith.cmpi sge, %sub3A_125, %ge3A_129 : i32
      %lt3A_131 = arith.constant 782 : i32
      %lt3A_132 = arith.cmpi slt, %add3A_128, %lt3A_131 : i32
      %and3A_133 = arith.andi %ge3A_130, %lt3A_132 : i1
      %convert_element_type3A_134 = arith.extui %and3A_133 : i1 to i32
      %cond3A_135 = arith.constant 0 : i32
      %cond3A_136 = arith.cmpi ne, %convert_element_type3A_134, %cond3A_135 : i32
      scf.if %cond3A_136 {
        %dma_wait3A = arith.constant 2 : i32
        %dma_wait3A_287 = arith.constant 2 : i32
        %dma_wait3A_288 = arith.constant 0 : i32
        %dma_wait3A_289 = arith.constant 0 : i32
        %dma_wait3A_290 = tpu.memref_slice %arg10[%dma_wait3A, %dma_wait3A_288, %dma_wait3A_289] : memref<4x128x128xf32, #tpu.memory_space<vmem>> -> memref<1x128x128xf32, #tpu.memory_space<vmem>>
        %dma_wait3A_291 = tpu.memref_squeeze %dma_wait3A_290 : memref<1x128x128xf32, #tpu.memory_space<vmem>> -> memref<128x128xf32, #tpu.memory_space<vmem>>
        %dma_wait3A_292 = arith.constant 0 : i32
        %dma_wait3A_293 = arith.constant 0 : i32
        %dma_wait3A_294 = tpu.memref_slice %arg2[%dma_wait3A_292, %dma_wait3A_293] : memref<100000x128xf32, #tpu.memory_space<hbm>> -> memref<128x128xf32, #tpu.memory_space<hbm>>
        %dma_wait3A_295 = tpu.memref_slice %arg14[%dma_wait3A_287] : memref<4x!tpu.dma_semaphore, #tpu.memory_space<semaphore_mem>> -> memref<1x!tpu.dma_semaphore, #tpu.memory_space<semaphore_mem>>
        %dma_wait3A_296 = tpu.memref_squeeze %dma_wait3A_295 : memref<1x!tpu.dma_semaphore, #tpu.memory_space<semaphore_mem>> -> memref<!tpu.dma_semaphore, #tpu.memory_space<semaphore_mem>>
        %dma_wait3A_297 = arith.constant 0 : i32
        %dma_wait3A_298 = arith.constant 0 : i32
        %dma_wait3A_299 = tpu.memref_slice %arg10[%dma_wait3A, %dma_wait3A_297, %dma_wait3A_298] : memref<4x128x128xf32, #tpu.memory_space<vmem>> -> memref<1x128x128xf32, #tpu.memory_space<vmem>>
        %dma_wait3A_300 = tpu.memref_squeeze %dma_wait3A_299 : memref<1x128x128xf32, #tpu.memory_space<vmem>> -> memref<128x128xf32, #tpu.memory_space<vmem>>
        %dma_wait3A_301 = arith.constant 0 : i32
        %dma_wait3A_302 = arith.constant 0 : i32
        %dma_wait3A_303 = tpu.memref_slice %arg2[%dma_wait3A_301, %dma_wait3A_302] : memref<100000x128xf32, #tpu.memory_space<hbm>> -> memref<128x128xf32, #tpu.memory_space<hbm>>
        tpu.wait_dma2 semaphore(%dma_wait3A_296 : memref<!tpu.dma_semaphore, #tpu.memory_space<semaphore_mem>>) src(%dma_wait3A_303 : memref<128x128xf32, #tpu.memory_space<hbm>>) dst(%dma_wait3A_300 : memref<128x128xf32, #tpu.memory_space<vmem>>)
        %mul3A_304 = arith.constant 128 : i32
        %mul3A_305 = arith.muli %add3A_128, %mul3A_304 : i32
        %min3A = arith.constant 99872 : i32
        %min3A_306 = arith.minsi %mul3A_305, %min3A : i32
        %dma_start3A = arith.constant 2 : i32
        %dma_start3A_307 = arith.constant 2 : i32
        %dma_start3A_308 = arith.constant 0 : i32
        %dma_start3A_309 = arith.constant 0 : i32
        %dma_start3A_310 = tpu.memref_slice %arg10[%dma_start3A, %dma_start3A_308, %dma_start3A_309] : memref<4x128x128xf32, #tpu.memory_space<vmem>> -> memref<1x128x128xf32, #tpu.memory_space<vmem>>
        %dma_start3A_311 = tpu.memref_squeeze %dma_start3A_310 : memref<1x128x128xf32, #tpu.memory_space<vmem>> -> memref<128x128xf32, #tpu.memory_space<vmem>>
        %dma_start3A_312 = arith.constant 0 : i32
        %dma_start3A_313 = tpu.memref_slice %arg7[%min3A_306, %dma_start3A_312] : memref<100000x128xf32, #tpu.memory_space<hbm>> -> memref<128x128xf32, #tpu.memory_space<hbm>>
        %dma_start3A_314 = tpu.memref_slice %arg15[%dma_start3A_307] : memref<4x!tpu.dma_semaphore, #tpu.memory_space<semaphore_mem>> -> memref<1x!tpu.dma_semaphore, #tpu.memory_space<semaphore_mem>>
        %dma_start3A_315 = tpu.memref_squeeze %dma_start3A_314 : memref<1x!tpu.dma_semaphore, #tpu.memory_space<semaphore_mem>> -> memref<!tpu.dma_semaphore, #tpu.memory_space<semaphore_mem>>
        %dma_start3A_316 = arith.constant 0 : i32
        %dma_start3A_317 = tpu.memref_slice %arg7[%min3A_306, %dma_start3A_316] : memref<100000x128xf32, #tpu.memory_space<hbm>> -> memref<128x128xf32, #tpu.memory_space<hbm>>
        %dma_start3A_318 = arith.constant 0 : i32
        %dma_start3A_319 = arith.constant 0 : i32
        %dma_start3A_320 = tpu.memref_slice %arg10[%dma_start3A, %dma_start3A_318, %dma_start3A_319] : memref<4x128x128xf32, #tpu.memory_space<vmem>> -> memref<1x128x128xf32, #tpu.memory_space<vmem>>
        %dma_start3A_321 = tpu.memref_squeeze %dma_start3A_320 : memref<1x128x128xf32, #tpu.memory_space<vmem>> -> memref<128x128xf32, #tpu.memory_space<vmem>>
        tpu.enqueue_dma source(%dma_start3A_321 : memref<128x128xf32, #tpu.memory_space<vmem>>) target(%dma_start3A_317 : memref<128x128xf32, #tpu.memory_space<hbm>>) target_semaphore(%dma_start3A_315 : memref<!tpu.dma_semaphore, #tpu.memory_space<semaphore_mem>>)
      } else {
      }
      %add3A_137 = arith.constant 1 : i32
      %add3A_138 = arith.addi %mul3A_67, %add3A_137 : i32
      %sub3A_139 = arith.constant 2 : i32
      %sub3A_140 = arith.subi %add3A_138, %sub3A_139 : i32
      %mul3A_141 = arith.constant 32 : i32
      %mul3A_142 = arith.muli %sub3A_140, %mul3A_141 : i32
      %add3A_143 = arith.addi %add3A, %mul3A_142 : i32
      %ge3A_144 = arith.constant 0 : i32
      %ge3A_145 = arith.cmpi sge, %sub3A_140, %ge3A_144 : i32
      %lt3A_146 = arith.constant 782 : i32
      %lt3A_147 = arith.cmpi slt, %add3A_143, %lt3A_146 : i32
      %and3A_148 = arith.andi %ge3A_145, %lt3A_147 : i1
      %convert_element_type3A_149 = arith.extui %and3A_148 : i1 to i32
      %cond3A_150 = arith.constant 0 : i32
      %cond3A_151 = arith.cmpi ne, %convert_element_type3A_149, %cond3A_150 : i32
      scf.if %cond3A_151 {
        %dma_wait3A = arith.constant 3 : i32
        %dma_wait3A_287 = arith.constant 3 : i32
        %dma_wait3A_288 = arith.constant 0 : i32
        %dma_wait3A_289 = arith.constant 0 : i32
        %dma_wait3A_290 = tpu.memref_slice %arg10[%dma_wait3A, %dma_wait3A_288, %dma_wait3A_289] : memref<4x128x128xf32, #tpu.memory_space<vmem>> -> memref<1x128x128xf32, #tpu.memory_space<vmem>>
        %dma_wait3A_291 = tpu.memref_squeeze %dma_wait3A_290 : memref<1x128x128xf32, #tpu.memory_space<vmem>> -> memref<128x128xf32, #tpu.memory_space<vmem>>
        %dma_wait3A_292 = arith.constant 0 : i32
        %dma_wait3A_293 = arith.constant 0 : i32
        %dma_wait3A_294 = tpu.memref_slice %arg2[%dma_wait3A_292, %dma_wait3A_293] : memref<100000x128xf32, #tpu.memory_space<hbm>> -> memref<128x128xf32, #tpu.memory_space<hbm>>
        %dma_wait3A_295 = tpu.memref_slice %arg14[%dma_wait3A_287] : memref<4x!tpu.dma_semaphore, #tpu.memory_space<semaphore_mem>> -> memref<1x!tpu.dma_semaphore, #tpu.memory_space<semaphore_mem>>
        %dma_wait3A_296 = tpu.memref_squeeze %dma_wait3A_295 : memref<1x!tpu.dma_semaphore, #tpu.memory_space<semaphore_mem>> -> memref<!tpu.dma_semaphore, #tpu.memory_space<semaphore_mem>>
        %dma_wait3A_297 = arith.constant 0 : i32
        %dma_wait3A_298 = arith.constant 0 : i32
        %dma_wait3A_299 = tpu.memref_slice %arg10[%dma_wait3A, %dma_wait3A_297, %dma_wait3A_298] : memref<4x128x128xf32, #tpu.memory_space<vmem>> -> memref<1x128x128xf32, #tpu.memory_space<vmem>>
        %dma_wait3A_300 = tpu.memref_squeeze %dma_wait3A_299 : memref<1x128x128xf32, #tpu.memory_space<vmem>> -> memref<128x128xf32, #tpu.memory_space<vmem>>
        %dma_wait3A_301 = arith.constant 0 : i32
        %dma_wait3A_302 = arith.constant 0 : i32
        %dma_wait3A_303 = tpu.memref_slice %arg2[%dma_wait3A_301, %dma_wait3A_302] : memref<100000x128xf32, #tpu.memory_space<hbm>> -> memref<128x128xf32, #tpu.memory_space<hbm>>
        tpu.wait_dma2 semaphore(%dma_wait3A_296 : memref<!tpu.dma_semaphore, #tpu.memory_space<semaphore_mem>>) src(%dma_wait3A_303 : memref<128x128xf32, #tpu.memory_space<hbm>>) dst(%dma_wait3A_300 : memref<128x128xf32, #tpu.memory_space<vmem>>)
        %dma_start3A = arith.constant 3 : i32
        %dma_start3A_304 = arith.constant 3 : i32
        %dma_start3A_305 = arith.constant 3 : i32
        %dma_start3A_306 = arith.constant 0 : i32
        %dma_start3A_307 = arith.constant 0 : i32
        %dma_start3A_308 = tpu.memref_slice %arg10[%dma_start3A_304, %dma_start3A_306, %dma_start3A_307] : memref<4x128x128xf32, #tpu.memory_space<vmem>> -> memref<1x128x128xf32, #tpu.memory_space<vmem>>
        %dma_start3A_309 = tpu.memref_squeeze %dma_start3A_308 : memref<1x128x128xf32, #tpu.memory_space<vmem>> -> memref<128x128xf32, #tpu.memory_space<vmem>>
        %dma_start3A_310 = arith.constant 0 : i32
        %dma_start3A_311 = tpu.memref_slice %arg9[%dma_start3A, %dma_start3A_310] : memref<4x128xi32, #tpu.memory_space<vmem>> -> memref<1x128xi32, #tpu.memory_space<vmem>>
        %dma_start3A_312 = tpu.memref_squeeze %dma_start3A_311 : memref<1x128xi32, #tpu.memory_space<vmem>> -> memref<128xi32, #tpu.memory_space<vmem>>
        %dma_start3A_313 = arith.constant 0 : i32
        %dma_start3A_314 = arith.constant 0 : i32
        %dma_start3A_315 = tpu.memref_slice %arg12[%dma_start3A_313, %dma_start3A_314] : memref<512x128xf32, #tpu.memory_space<vmem_shared>> -> memref<512x128xf32, #tpu.memory_space<vmem_shared>>
        %dma_start3A_316 = tpu.memref_slice %arg14[%dma_start3A_305] : memref<4x!tpu.dma_semaphore, #tpu.memory_space<semaphore_mem>> -> memref<1x!tpu.dma_semaphore, #tpu.memory_space<semaphore_mem>>
        %dma_start3A_317 = tpu.memref_squeeze %dma_start3A_316 : memref<1x!tpu.dma_semaphore, #tpu.memory_space<semaphore_mem>> -> memref<!tpu.dma_semaphore, #tpu.memory_space<semaphore_mem>>
        tpu.enqueue_indirect_dma source(%dma_start3A_315 : memref<512x128xf32, #tpu.memory_space<vmem_shared>>) target(%dma_start3A_309 : memref<128x128xf32, #tpu.memory_space<vmem>>) offsets(%dma_start3A_312 : memref<128xi32, #tpu.memory_space<vmem>>) semaphore(%dma_start3A_317 : memref<!tpu.dma_semaphore, #tpu.memory_space<semaphore_mem>>) {add = true}
      } else {
      }
      %add3A_152 = arith.constant 1 : i32
      %add3A_153 = arith.addi %mul3A_67, %add3A_152 : i32
      %sub3A_154 = arith.constant 1 : i32
      %sub3A_155 = arith.subi %add3A_153, %sub3A_154 : i32
      %mul3A_156 = arith.constant 32 : i32
      %mul3A_157 = arith.muli %sub3A_155, %mul3A_156 : i32
      %add3A_158 = arith.addi %add3A, %mul3A_157 : i32
      %ge3A_159 = arith.constant 0 : i32
      %ge3A_160 = arith.cmpi sge, %sub3A_155, %ge3A_159 : i32
      %lt3A_161 = arith.constant 782 : i32
      %lt3A_162 = arith.cmpi slt, %add3A_158, %lt3A_161 : i32
      %and3A_163 = arith.andi %ge3A_160, %lt3A_162 : i1
      %convert_element_type3A_164 = arith.extui %and3A_163 : i1 to i32
      %cond3A_165 = arith.constant 0 : i32
      %cond3A_166 = arith.cmpi ne, %convert_element_type3A_164, %cond3A_165 : i32
      scf.if %cond3A_166 {
        %dma_wait3A = arith.constant 0 : i32
        %dma_wait3A_287 = arith.constant 0 : i32
        %dma_wait3A_288 = arith.constant 0 : i32
        %dma_wait3A_289 = tpu.memref_slice %arg8[%dma_wait3A, %dma_wait3A_288] : memref<4x128xi32, #tpu.memory_space<vmem>> -> memref<1x128xi32, #tpu.memory_space<vmem>>
        %dma_wait3A_290 = tpu.memref_squeeze %dma_wait3A_289 : memref<1x128xi32, #tpu.memory_space<vmem>> -> memref<128xi32, #tpu.memory_space<vmem>>
        %dma_wait3A_291 = arith.constant 0 : i32
        %dma_wait3A_292 = tpu.memref_slice %arg3[%dma_wait3A_291] : memref<100000xi32, #tpu.memory_space<hbm>> -> memref<128xi32, #tpu.memory_space<hbm>>
        %dma_wait3A_293 = tpu.memref_slice %arg13[%dma_wait3A_287] : memref<4x!tpu.dma_semaphore, #tpu.memory_space<semaphore_mem>> -> memref<1x!tpu.dma_semaphore, #tpu.memory_space<semaphore_mem>>
        %dma_wait3A_294 = tpu.memref_squeeze %dma_wait3A_293 : memref<1x!tpu.dma_semaphore, #tpu.memory_space<semaphore_mem>> -> memref<!tpu.dma_semaphore, #tpu.memory_space<semaphore_mem>>
        %dma_wait3A_295 = arith.constant 0 : i32
        %dma_wait3A_296 = tpu.memref_slice %arg8[%dma_wait3A, %dma_wait3A_295] : memref<4x128xi32, #tpu.memory_space<vmem>> -> memref<1x128xi32, #tpu.memory_space<vmem>>
        %dma_wait3A_297 = tpu.memref_squeeze %dma_wait3A_296 : memref<1x128xi32, #tpu.memory_space<vmem>> -> memref<128xi32, #tpu.memory_space<vmem>>
        %dma_wait3A_298 = arith.constant 0 : i32
        %dma_wait3A_299 = tpu.memref_slice %arg3[%dma_wait3A_298] : memref<100000xi32, #tpu.memory_space<hbm>> -> memref<128xi32, #tpu.memory_space<hbm>>
        tpu.wait_dma2 semaphore(%dma_wait3A_294 : memref<!tpu.dma_semaphore, #tpu.memory_space<semaphore_mem>>) src(%dma_wait3A_299 : memref<128xi32, #tpu.memory_space<hbm>>) dst(%dma_wait3A_297 : memref<128xi32, #tpu.memory_space<vmem>>)
        %dma_wait3A_300 = arith.constant 0 : i32
        %dma_wait3A_301 = arith.constant 0 : i32
        %dma_wait3A_302 = arith.constant 0 : i32
        %dma_wait3A_303 = tpu.memref_slice %arg9[%dma_wait3A_300, %dma_wait3A_302] : memref<4x128xi32, #tpu.memory_space<vmem>> -> memref<1x128xi32, #tpu.memory_space<vmem>>
        %dma_wait3A_304 = tpu.memref_squeeze %dma_wait3A_303 : memref<1x128xi32, #tpu.memory_space<vmem>> -> memref<128xi32, #tpu.memory_space<vmem>>
        %dma_wait3A_305 = arith.constant 0 : i32
        %dma_wait3A_306 = tpu.memref_slice %arg4[%dma_wait3A_305] : memref<100000xi32, #tpu.memory_space<hbm>> -> memref<128xi32, #tpu.memory_space<hbm>>
        %dma_wait3A_307 = tpu.memref_slice %arg13[%dma_wait3A_301] : memref<4x!tpu.dma_semaphore, #tpu.memory_space<semaphore_mem>> -> memref<1x!tpu.dma_semaphore, #tpu.memory_space<semaphore_mem>>
        %dma_wait3A_308 = tpu.memref_squeeze %dma_wait3A_307 : memref<1x!tpu.dma_semaphore, #tpu.memory_space<semaphore_mem>> -> memref<!tpu.dma_semaphore, #tpu.memory_space<semaphore_mem>>
        %dma_wait3A_309 = arith.constant 0 : i32
        %dma_wait3A_310 = tpu.memref_slice %arg9[%dma_wait3A_300, %dma_wait3A_309] : memref<4x128xi32, #tpu.memory_space<vmem>> -> memref<1x128xi32, #tpu.memory_space<vmem>>
        %dma_wait3A_311 = tpu.memref_squeeze %dma_wait3A_310 : memref<1x128xi32, #tpu.memory_space<vmem>> -> memref<128xi32, #tpu.memory_space<vmem>>
        %dma_wait3A_312 = arith.constant 0 : i32
        %dma_wait3A_313 = tpu.memref_slice %arg4[%dma_wait3A_312] : memref<100000xi32, #tpu.memory_space<hbm>> -> memref<128xi32, #tpu.memory_space<hbm>>
        tpu.wait_dma2 semaphore(%dma_wait3A_308 : memref<!tpu.dma_semaphore, #tpu.memory_space<semaphore_mem>>) src(%dma_wait3A_313 : memref<128xi32, #tpu.memory_space<hbm>>) dst(%dma_wait3A_311 : memref<128xi32, #tpu.memory_space<vmem>>)
        %dma_wait3A_314 = arith.constant 0 : i32
        %dma_wait3A_315 = arith.constant 0 : i32
        %dma_wait3A_316 = arith.constant 0 : i32
        %dma_wait3A_317 = arith.constant 0 : i32
        %dma_wait3A_318 = tpu.memref_slice %arg10[%dma_wait3A_314, %dma_wait3A_316, %dma_wait3A_317] : memref<4x128x128xf32, #tpu.memory_space<vmem>> -> memref<1x128x128xf32, #tpu.memory_space<vmem>>
        %dma_wait3A_319 = tpu.memref_squeeze %dma_wait3A_318 : memref<1x128x128xf32, #tpu.memory_space<vmem>> -> memref<128x128xf32, #tpu.memory_space<vmem>>
        %dma_wait3A_320 = arith.constant 0 : i32
        %dma_wait3A_321 = arith.constant 0 : i32
        %dma_wait3A_322 = tpu.memref_slice %arg2[%dma_wait3A_320, %dma_wait3A_321] : memref<100000x128xf32, #tpu.memory_space<hbm>> -> memref<128x128xf32, #tpu.memory_space<hbm>>
        %dma_wait3A_323 = tpu.memref_slice %arg13[%dma_wait3A_315] : memref<4x!tpu.dma_semaphore, #tpu.memory_space<semaphore_mem>> -> memref<1x!tpu.dma_semaphore, #tpu.memory_space<semaphore_mem>>
        %dma_wait3A_324 = tpu.memref_squeeze %dma_wait3A_323 : memref<1x!tpu.dma_semaphore, #tpu.memory_space<semaphore_mem>> -> memref<!tpu.dma_semaphore, #tpu.memory_space<semaphore_mem>>
        %dma_wait3A_325 = arith.constant 0 : i32
        %dma_wait3A_326 = arith.constant 0 : i32
        %dma_wait3A_327 = tpu.memref_slice %arg10[%dma_wait3A_314, %dma_wait3A_325, %dma_wait3A_326] : memref<4x128x128xf32, #tpu.memory_space<vmem>> -> memref<1x128x128xf32, #tpu.memory_space<vmem>>
        %dma_wait3A_328 = tpu.memref_squeeze %dma_wait3A_327 : memref<1x128x128xf32, #tpu.memory_space<vmem>> -> memref<128x128xf32, #tpu.memory_space<vmem>>
        %dma_wait3A_329 = arith.constant 0 : i32
        %dma_wait3A_330 = arith.constant 0 : i32
        %dma_wait3A_331 = tpu.memref_slice %arg2[%dma_wait3A_329, %dma_wait3A_330] : memref<100000x128xf32, #tpu.memory_space<hbm>> -> memref<128x128xf32, #tpu.memory_space<hbm>>
        tpu.wait_dma2 semaphore(%dma_wait3A_324 : memref<!tpu.dma_semaphore, #tpu.memory_space<semaphore_mem>>) src(%dma_wait3A_331 : memref<128x128xf32, #tpu.memory_space<hbm>>) dst(%dma_wait3A_328 : memref<128x128xf32, #tpu.memory_space<vmem>>)
        %dma_start3A = arith.constant 0 : i32
        %dma_start3A_332 = arith.constant 0 : i32
        %dma_start3A_333 = arith.constant 0 : i32
        %dma_start3A_334 = arith.constant 0 : i32
        %dma_start3A_335 = arith.constant 0 : i32
        %dma_start3A_336 = tpu.memref_slice %arg10[%dma_start3A_332, %dma_start3A_334, %dma_start3A_335] : memref<4x128x128xf32, #tpu.memory_space<vmem>> -> memref<1x128x128xf32, #tpu.memory_space<vmem>>
        %dma_start3A_337 = tpu.memref_squeeze %dma_start3A_336 : memref<1x128x128xf32, #tpu.memory_space<vmem>> -> memref<128x128xf32, #tpu.memory_space<vmem>>
        %dma_start3A_338 = arith.constant 0 : i32
        %dma_start3A_339 = tpu.memref_slice %arg8[%dma_start3A, %dma_start3A_338] : memref<4x128xi32, #tpu.memory_space<vmem>> -> memref<1x128xi32, #tpu.memory_space<vmem>>
        %dma_start3A_340 = tpu.memref_squeeze %dma_start3A_339 : memref<1x128xi32, #tpu.memory_space<vmem>> -> memref<128xi32, #tpu.memory_space<vmem>>
        %dma_start3A_341 = arith.constant 0 : i32
        %dma_start3A_342 = arith.constant 0 : i32
        %dma_start3A_343 = tpu.memref_slice %arg11[%dma_start3A_341, %dma_start3A_342] : memref<512x128xf32, #tpu.memory_space<vmem_shared>> -> memref<512x128xf32, #tpu.memory_space<vmem_shared>>
        %dma_start3A_344 = tpu.memref_slice %arg14[%dma_start3A_333] : memref<4x!tpu.dma_semaphore, #tpu.memory_space<semaphore_mem>> -> memref<1x!tpu.dma_semaphore, #tpu.memory_space<semaphore_mem>>
        %dma_start3A_345 = tpu.memref_squeeze %dma_start3A_344 : memref<1x!tpu.dma_semaphore, #tpu.memory_space<semaphore_mem>> -> memref<!tpu.dma_semaphore, #tpu.memory_space<semaphore_mem>>
        tpu.enqueue_indirect_dma source(%dma_start3A_343 : memref<512x128xf32, #tpu.memory_space<vmem_shared>>) target(%dma_start3A_337 : memref<128x128xf32, #tpu.memory_space<vmem>>) offsets(%dma_start3A_340 : memref<128xi32, #tpu.memory_space<vmem>>) semaphore(%dma_start3A_345 : memref<!tpu.dma_semaphore, #tpu.memory_space<semaphore_mem>>) {add = true}
      } else {
      }
      %add3A_167 = arith.constant 1 : i32
      %add3A_168 = arith.addi %mul3A_67, %add3A_167 : i32
      %mul3A_169 = arith.constant 32 : i32
      %mul3A_170 = arith.muli %add3A_168, %mul3A_169 : i32
      %add3A_171 = arith.addi %add3A, %mul3A_170 : i32
      %lt3A_172 = arith.constant 782 : i32
      %lt3A_173 = arith.cmpi slt, %add3A_171, %lt3A_172 : i32
      %convert_element_type3A_174 = arith.extui %lt3A_173 : i1 to i32
      %cond3A_175 = arith.constant 0 : i32
      %cond3A_176 = arith.cmpi ne, %convert_element_type3A_174, %cond3A_175 : i32
      scf.if %cond3A_176 {
        %ge3A_287 = arith.constant 4 : i32
        %ge3A_288 = arith.cmpi sge, %add3A_168, %ge3A_287 : i32
        %convert_element_type3A_289 = arith.extui %ge3A_288 : i1 to i32
        %cond3A_290 = arith.constant 0 : i32
        %cond3A_291 = arith.cmpi ne, %convert_element_type3A_289, %cond3A_290 : i32
        scf.if %cond3A_291 {
          %dma_wait3A = arith.constant 1 : i32
          %dma_wait3A_334 = arith.constant 1 : i32
          %dma_wait3A_335 = arith.constant 0 : i32
          %dma_wait3A_336 = arith.constant 0 : i32
          %dma_wait3A_337 = tpu.memref_slice %arg10[%dma_wait3A, %dma_wait3A_335, %dma_wait3A_336] : memref<4x128x128xf32, #tpu.memory_space<vmem>> -> memref<1x128x128xf32, #tpu.memory_space<vmem>>
          %dma_wait3A_338 = tpu.memref_squeeze %dma_wait3A_337 : memref<1x128x128xf32, #tpu.memory_space<vmem>> -> memref<128x128xf32, #tpu.memory_space<vmem>>
          %dma_wait3A_339 = arith.constant 0 : i32
          %dma_wait3A_340 = arith.constant 0 : i32
          %dma_wait3A_341 = tpu.memref_slice %arg7[%dma_wait3A_339, %dma_wait3A_340] : memref<100000x128xf32, #tpu.memory_space<hbm>> -> memref<128x128xf32, #tpu.memory_space<hbm>>
          %dma_wait3A_342 = tpu.memref_slice %arg15[%dma_wait3A_334] : memref<4x!tpu.dma_semaphore, #tpu.memory_space<semaphore_mem>> -> memref<1x!tpu.dma_semaphore, #tpu.memory_space<semaphore_mem>>
          %dma_wait3A_343 = tpu.memref_squeeze %dma_wait3A_342 : memref<1x!tpu.dma_semaphore, #tpu.memory_space<semaphore_mem>> -> memref<!tpu.dma_semaphore, #tpu.memory_space<semaphore_mem>>
          %dma_wait3A_344 = arith.constant 0 : i32
          %dma_wait3A_345 = arith.constant 0 : i32
          %dma_wait3A_346 = tpu.memref_slice %arg7[%dma_wait3A_344, %dma_wait3A_345] : memref<100000x128xf32, #tpu.memory_space<hbm>> -> memref<128x128xf32, #tpu.memory_space<hbm>>
          %dma_wait3A_347 = arith.constant 0 : i32
          %dma_wait3A_348 = arith.constant 0 : i32
          %dma_wait3A_349 = tpu.memref_slice %arg10[%dma_wait3A, %dma_wait3A_347, %dma_wait3A_348] : memref<4x128x128xf32, #tpu.memory_space<vmem>> -> memref<1x128x128xf32, #tpu.memory_space<vmem>>
          %dma_wait3A_350 = tpu.memref_squeeze %dma_wait3A_349 : memref<1x128x128xf32, #tpu.memory_space<vmem>> -> memref<128x128xf32, #tpu.memory_space<vmem>>
          tpu.wait_dma2 semaphore(%dma_wait3A_343 : memref<!tpu.dma_semaphore, #tpu.memory_space<semaphore_mem>>) src(%dma_wait3A_350 : memref<128x128xf32, #tpu.memory_space<vmem>>) dst(%dma_wait3A_346 : memref<128x128xf32, #tpu.memory_space<hbm>>)
        } else {
        }
        %mul3A_292 = arith.constant 128 : i32
        %mul3A_293 = arith.muli %add3A_171, %mul3A_292 : i32
        %min3A = arith.constant 99872 : i32
        %min3A_294 = arith.minsi %mul3A_293, %min3A : i32
        %dma_start3A = arith.constant 1 : i32
        %dma_start3A_295 = arith.constant 1 : i32
        %dma_start3A_296 = arith.constant 0 : i32
        %dma_start3A_297 = tpu.memref_slice %arg8[%dma_start3A, %dma_start3A_296] : memref<4x128xi32, #tpu.memory_space<vmem>> -> memref<1x128xi32, #tpu.memory_space<vmem>>
        %dma_start3A_298 = tpu.memref_squeeze %dma_start3A_297 : memref<1x128xi32, #tpu.memory_space<vmem>> -> memref<128xi32, #tpu.memory_space<vmem>>
        %dma_start3A_299 = tpu.memref_slice %arg3[%min3A_294] : memref<100000xi32, #tpu.memory_space<hbm>> -> memref<128xi32, #tpu.memory_space<hbm>>
        %dma_start3A_300 = tpu.memref_slice %arg13[%dma_start3A_295] : memref<4x!tpu.dma_semaphore, #tpu.memory_space<semaphore_mem>> -> memref<1x!tpu.dma_semaphore, #tpu.memory_space<semaphore_mem>>
        %dma_start3A_301 = tpu.memref_squeeze %dma_start3A_300 : memref<1x!tpu.dma_semaphore, #tpu.memory_space<semaphore_mem>> -> memref<!tpu.dma_semaphore, #tpu.memory_space<semaphore_mem>>
        %dma_start3A_302 = arith.constant 0 : i32
        %dma_start3A_303 = tpu.memref_slice %arg8[%dma_start3A, %dma_start3A_302] : memref<4x128xi32, #tpu.memory_space<vmem>> -> memref<1x128xi32, #tpu.memory_space<vmem>>
        %dma_start3A_304 = tpu.memref_squeeze %dma_start3A_303 : memref<1x128xi32, #tpu.memory_space<vmem>> -> memref<128xi32, #tpu.memory_space<vmem>>
        %dma_start3A_305 = tpu.memref_slice %arg3[%min3A_294] : memref<100000xi32, #tpu.memory_space<hbm>> -> memref<128xi32, #tpu.memory_space<hbm>>
        tpu.enqueue_dma source(%dma_start3A_305 : memref<128xi32, #tpu.memory_space<hbm>>) target(%dma_start3A_304 : memref<128xi32, #tpu.memory_space<vmem>>) target_semaphore(%dma_start3A_301 : memref<!tpu.dma_semaphore, #tpu.memory_space<semaphore_mem>>)
        %dma_start3A_306 = arith.constant 1 : i32
        %dma_start3A_307 = arith.constant 1 : i32
        %dma_start3A_308 = arith.constant 0 : i32
        %dma_start3A_309 = tpu.memref_slice %arg9[%dma_start3A_306, %dma_start3A_308] : memref<4x128xi32, #tpu.memory_space<vmem>> -> memref<1x128xi32, #tpu.memory_space<vmem>>
        %dma_start3A_310 = tpu.memref_squeeze %dma_start3A_309 : memref<1x128xi32, #tpu.memory_space<vmem>> -> memref<128xi32, #tpu.memory_space<vmem>>
        %dma_start3A_311 = tpu.memref_slice %arg4[%min3A_294] : memref<100000xi32, #tpu.memory_space<hbm>> -> memref<128xi32, #tpu.memory_space<hbm>>
        %dma_start3A_312 = tpu.memref_slice %arg13[%dma_start3A_307] : memref<4x!tpu.dma_semaphore, #tpu.memory_space<semaphore_mem>> -> memref<1x!tpu.dma_semaphore, #tpu.memory_space<semaphore_mem>>
        %dma_start3A_313 = tpu.memref_squeeze %dma_start3A_312 : memref<1x!tpu.dma_semaphore, #tpu.memory_space<semaphore_mem>> -> memref<!tpu.dma_semaphore, #tpu.memory_space<semaphore_mem>>
        %dma_start3A_314 = arith.constant 0 : i32
        %dma_start3A_315 = tpu.memref_slice %arg9[%dma_start3A_306, %dma_start3A_314] : memref<4x128xi32, #tpu.memory_space<vmem>> -> memref<1x128xi32, #tpu.memory_space<vmem>>
        %dma_start3A_316 = tpu.memref_squeeze %dma_start3A_315 : memref<1x128xi32, #tpu.memory_space<vmem>> -> memref<128xi32, #tpu.memory_space<vmem>>
        %dma_start3A_317 = tpu.memref_slice %arg4[%min3A_294] : memref<100000xi32, #tpu.memory_space<hbm>> -> memref<128xi32, #tpu.memory_space<hbm>>
        tpu.enqueue_dma source(%dma_start3A_317 : memref<128xi32, #tpu.memory_space<hbm>>) target(%dma_start3A_316 : memref<128xi32, #tpu.memory_space<vmem>>) target_semaphore(%dma_start3A_313 : memref<!tpu.dma_semaphore, #tpu.memory_space<semaphore_mem>>)
        %dma_start3A_318 = arith.constant 1 : i32
        %dma_start3A_319 = arith.constant 1 : i32
        %dma_start3A_320 = arith.constant 0 : i32
        %dma_start3A_321 = arith.constant 0 : i32
        %dma_start3A_322 = tpu.memref_slice %arg10[%dma_start3A_318, %dma_start3A_320, %dma_start3A_321] : memref<4x128x128xf32, #tpu.memory_space<vmem>> -> memref<1x128x128xf32, #tpu.memory_space<vmem>>
        %dma_start3A_323 = tpu.memref_squeeze %dma_start3A_322 : memref<1x128x128xf32, #tpu.memory_space<vmem>> -> memref<128x128xf32, #tpu.memory_space<vmem>>
        %dma_start3A_324 = arith.constant 0 : i32
        %dma_start3A_325 = tpu.memref_slice %arg2[%min3A_294, %dma_start3A_324] : memref<100000x128xf32, #tpu.memory_space<hbm>> -> memref<128x128xf32, #tpu.memory_space<hbm>>
        %dma_start3A_326 = tpu.memref_slice %arg13[%dma_start3A_319] : memref<4x!tpu.dma_semaphore, #tpu.memory_space<semaphore_mem>> -> memref<1x!tpu.dma_semaphore, #tpu.memory_space<semaphore_mem>>
        %dma_start3A_327 = tpu.memref_squeeze %dma_start3A_326 : memref<1x!tpu.dma_semaphore, #tpu.memory_space<semaphore_mem>> -> memref<!tpu.dma_semaphore, #tpu.memory_space<semaphore_mem>>
        %dma_start3A_328 = arith.constant 0 : i32
        %dma_start3A_329 = arith.constant 0 : i32
        %dma_start3A_330 = tpu.memref_slice %arg10[%dma_start3A_318, %dma_start3A_328, %dma_start3A_329] : memref<4x128x128xf32, #tpu.memory_space<vmem>> -> memref<1x128x128xf32, #tpu.memory_space<vmem>>
        %dma_start3A_331 = tpu.memref_squeeze %dma_start3A_330 : memref<1x128x128xf32, #tpu.memory_space<vmem>> -> memref<128x128xf32, #tpu.memory_space<vmem>>
        %dma_start3A_332 = arith.constant 0 : i32
        %dma_start3A_333 = tpu.memref_slice %arg2[%min3A_294, %dma_start3A_332] : memref<100000x128xf32, #tpu.memory_space<hbm>> -> memref<128x128xf32, #tpu.memory_space<hbm>>
        tpu.enqueue_dma source(%dma_start3A_333 : memref<128x128xf32, #tpu.memory_space<hbm>>) target(%dma_start3A_331 : memref<128x128xf32, #tpu.memory_space<vmem>>) target_semaphore(%dma_start3A_327 : memref<!tpu.dma_semaphore, #tpu.memory_space<semaphore_mem>>)
      } else {
      }
      %add3A_177 = arith.constant 2 : i32
      %add3A_178 = arith.addi %mul3A_67, %add3A_177 : i32
      %sub3A_179 = arith.constant 3 : i32
      %sub3A_180 = arith.subi %add3A_178, %sub3A_179 : i32
      %mul3A_181 = arith.constant 32 : i32
      %mul3A_182 = arith.muli %sub3A_180, %mul3A_181 : i32
      %add3A_183 = arith.addi %add3A, %mul3A_182 : i32
      %ge3A_184 = arith.constant 0 : i32
      %ge3A_185 = arith.cmpi sge, %sub3A_180, %ge3A_184 : i32
      %lt3A_186 = arith.constant 782 : i32
      %lt3A_187 = arith.cmpi slt, %add3A_183, %lt3A_186 : i32
      %and3A_188 = arith.andi %ge3A_185, %lt3A_187 : i1
      %convert_element_type3A_189 = arith.extui %and3A_188 : i1 to i32
      %cond3A_190 = arith.constant 0 : i32
      %cond3A_191 = arith.cmpi ne, %convert_element_type3A_189, %cond3A_190 : i32
      scf.if %cond3A_191 {
        %dma_wait3A = arith.constant 3 : i32
        %dma_wait3A_287 = arith.constant 3 : i32
        %dma_wait3A_288 = arith.constant 0 : i32
        %dma_wait3A_289 = arith.constant 0 : i32
        %dma_wait3A_290 = tpu.memref_slice %arg10[%dma_wait3A, %dma_wait3A_288, %dma_wait3A_289] : memref<4x128x128xf32, #tpu.memory_space<vmem>> -> memref<1x128x128xf32, #tpu.memory_space<vmem>>
        %dma_wait3A_291 = tpu.memref_squeeze %dma_wait3A_290 : memref<1x128x128xf32, #tpu.memory_space<vmem>> -> memref<128x128xf32, #tpu.memory_space<vmem>>
        %dma_wait3A_292 = arith.constant 0 : i32
        %dma_wait3A_293 = arith.constant 0 : i32
        %dma_wait3A_294 = tpu.memref_slice %arg2[%dma_wait3A_292, %dma_wait3A_293] : memref<100000x128xf32, #tpu.memory_space<hbm>> -> memref<128x128xf32, #tpu.memory_space<hbm>>
        %dma_wait3A_295 = tpu.memref_slice %arg14[%dma_wait3A_287] : memref<4x!tpu.dma_semaphore, #tpu.memory_space<semaphore_mem>> -> memref<1x!tpu.dma_semaphore, #tpu.memory_space<semaphore_mem>>
        %dma_wait3A_296 = tpu.memref_squeeze %dma_wait3A_295 : memref<1x!tpu.dma_semaphore, #tpu.memory_space<semaphore_mem>> -> memref<!tpu.dma_semaphore, #tpu.memory_space<semaphore_mem>>
        %dma_wait3A_297 = arith.constant 0 : i32
        %dma_wait3A_298 = arith.constant 0 : i32
        %dma_wait3A_299 = tpu.memref_slice %arg10[%dma_wait3A, %dma_wait3A_297, %dma_wait3A_298] : memref<4x128x128xf32, #tpu.memory_space<vmem>> -> memref<1x128x128xf32, #tpu.memory_space<vmem>>
        %dma_wait3A_300 = tpu.memref_squeeze %dma_wait3A_299 : memref<1x128x128xf32, #tpu.memory_space<vmem>> -> memref<128x128xf32, #tpu.memory_space<vmem>>
        %dma_wait3A_301 = arith.constant 0 : i32
        %dma_wait3A_302 = arith.constant 0 : i32
        %dma_wait3A_303 = tpu.memref_slice %arg2[%dma_wait3A_301, %dma_wait3A_302] : memref<100000x128xf32, #tpu.memory_space<hbm>> -> memref<128x128xf32, #tpu.memory_space<hbm>>
        tpu.wait_dma2 semaphore(%dma_wait3A_296 : memref<!tpu.dma_semaphore, #tpu.memory_space<semaphore_mem>>) src(%dma_wait3A_303 : memref<128x128xf32, #tpu.memory_space<hbm>>) dst(%dma_wait3A_300 : memref<128x128xf32, #tpu.memory_space<vmem>>)
        %mul3A_304 = arith.constant 128 : i32
        %mul3A_305 = arith.muli %add3A_183, %mul3A_304 : i32
        %min3A = arith.constant 99872 : i32
        %min3A_306 = arith.minsi %mul3A_305, %min3A : i32
        %dma_start3A = arith.constant 3 : i32
        %dma_start3A_307 = arith.constant 3 : i32
        %dma_start3A_308 = arith.constant 0 : i32
        %dma_start3A_309 = arith.constant 0 : i32
        %dma_start3A_310 = tpu.memref_slice %arg10[%dma_start3A, %dma_start3A_308, %dma_start3A_309] : memref<4x128x128xf32, #tpu.memory_space<vmem>> -> memref<1x128x128xf32, #tpu.memory_space<vmem>>
        %dma_start3A_311 = tpu.memref_squeeze %dma_start3A_310 : memref<1x128x128xf32, #tpu.memory_space<vmem>> -> memref<128x128xf32, #tpu.memory_space<vmem>>
        %dma_start3A_312 = arith.constant 0 : i32
        %dma_start3A_313 = tpu.memref_slice %arg7[%min3A_306, %dma_start3A_312] : memref<100000x128xf32, #tpu.memory_space<hbm>> -> memref<128x128xf32, #tpu.memory_space<hbm>>
        %dma_start3A_314 = tpu.memref_slice %arg15[%dma_start3A_307] : memref<4x!tpu.dma_semaphore, #tpu.memory_space<semaphore_mem>> -> memref<1x!tpu.dma_semaphore, #tpu.memory_space<semaphore_mem>>
        %dma_start3A_315 = tpu.memref_squeeze %dma_start3A_314 : memref<1x!tpu.dma_semaphore, #tpu.memory_space<semaphore_mem>> -> memref<!tpu.dma_semaphore, #tpu.memory_space<semaphore_mem>>
        %dma_start3A_316 = arith.constant 0 : i32
        %dma_start3A_317 = tpu.memref_slice %arg7[%min3A_306, %dma_start3A_316] : memref<100000x128xf32, #tpu.memory_space<hbm>> -> memref<128x128xf32, #tpu.memory_space<hbm>>
        %dma_start3A_318 = arith.constant 0 : i32
        %dma_start3A_319 = arith.constant 0 : i32
        %dma_start3A_320 = tpu.memref_slice %arg10[%dma_start3A, %dma_start3A_318, %dma_start3A_319] : memref<4x128x128xf32, #tpu.memory_space<vmem>> -> memref<1x128x128xf32, #tpu.memory_space<vmem>>
        %dma_start3A_321 = tpu.memref_squeeze %dma_start3A_320 : memref<1x128x128xf32, #tpu.memory_space<vmem>> -> memref<128x128xf32, #tpu.memory_space<vmem>>
        tpu.enqueue_dma source(%dma_start3A_321 : memref<128x128xf32, #tpu.memory_space<vmem>>) target(%dma_start3A_317 : memref<128x128xf32, #tpu.memory_space<hbm>>) target_semaphore(%dma_start3A_315 : memref<!tpu.dma_semaphore, #tpu.memory_space<semaphore_mem>>)
      } else {
      }
      %add3A_192 = arith.constant 2 : i32
      %add3A_193 = arith.addi %mul3A_67, %add3A_192 : i32
      %sub3A_194 = arith.constant 2 : i32
      %sub3A_195 = arith.subi %add3A_193, %sub3A_194 : i32
      %mul3A_196 = arith.constant 32 : i32
      %mul3A_197 = arith.muli %sub3A_195, %mul3A_196 : i32
      %add3A_198 = arith.addi %add3A, %mul3A_197 : i32
      %ge3A_199 = arith.constant 0 : i32
      %ge3A_200 = arith.cmpi sge, %sub3A_195, %ge3A_199 : i32
      %lt3A_201 = arith.constant 782 : i32
      %lt3A_202 = arith.cmpi slt, %add3A_198, %lt3A_201 : i32
      %and3A_203 = arith.andi %ge3A_200, %lt3A_202 : i1
      %convert_element_type3A_204 = arith.extui %and3A_203 : i1 to i32
      %cond3A_205 = arith.constant 0 : i32
      %cond3A_206 = arith.cmpi ne, %convert_element_type3A_204, %cond3A_205 : i32
      scf.if %cond3A_206 {
        %dma_wait3A = arith.constant 0 : i32
        %dma_wait3A_287 = arith.constant 0 : i32
        %dma_wait3A_288 = arith.constant 0 : i32
        %dma_wait3A_289 = arith.constant 0 : i32
        %dma_wait3A_290 = tpu.memref_slice %arg10[%dma_wait3A, %dma_wait3A_288, %dma_wait3A_289] : memref<4x128x128xf32, #tpu.memory_space<vmem>> -> memref<1x128x128xf32, #tpu.memory_space<vmem>>
        %dma_wait3A_291 = tpu.memref_squeeze %dma_wait3A_290 : memref<1x128x128xf32, #tpu.memory_space<vmem>> -> memref<128x128xf32, #tpu.memory_space<vmem>>
        %dma_wait3A_292 = arith.constant 0 : i32
        %dma_wait3A_293 = arith.constant 0 : i32
        %dma_wait3A_294 = tpu.memref_slice %arg2[%dma_wait3A_292, %dma_wait3A_293] : memref<100000x128xf32, #tpu.memory_space<hbm>> -> memref<128x128xf32, #tpu.memory_space<hbm>>
        %dma_wait3A_295 = tpu.memref_slice %arg14[%dma_wait3A_287] : memref<4x!tpu.dma_semaphore, #tpu.memory_space<semaphore_mem>> -> memref<1x!tpu.dma_semaphore, #tpu.memory_space<semaphore_mem>>
        %dma_wait3A_296 = tpu.memref_squeeze %dma_wait3A_295 : memref<1x!tpu.dma_semaphore, #tpu.memory_space<semaphore_mem>> -> memref<!tpu.dma_semaphore, #tpu.memory_space<semaphore_mem>>
        %dma_wait3A_297 = arith.constant 0 : i32
        %dma_wait3A_298 = arith.constant 0 : i32
        %dma_wait3A_299 = tpu.memref_slice %arg10[%dma_wait3A, %dma_wait3A_297, %dma_wait3A_298] : memref<4x128x128xf32, #tpu.memory_space<vmem>> -> memref<1x128x128xf32, #tpu.memory_space<vmem>>
        %dma_wait3A_300 = tpu.memref_squeeze %dma_wait3A_299 : memref<1x128x128xf32, #tpu.memory_space<vmem>> -> memref<128x128xf32, #tpu.memory_space<vmem>>
        %dma_wait3A_301 = arith.constant 0 : i32
        %dma_wait3A_302 = arith.constant 0 : i32
        %dma_wait3A_303 = tpu.memref_slice %arg2[%dma_wait3A_301, %dma_wait3A_302] : memref<100000x128xf32, #tpu.memory_space<hbm>> -> memref<128x128xf32, #tpu.memory_space<hbm>>
        tpu.wait_dma2 semaphore(%dma_wait3A_296 : memref<!tpu.dma_semaphore, #tpu.memory_space<semaphore_mem>>) src(%dma_wait3A_303 : memref<128x128xf32, #tpu.memory_space<hbm>>) dst(%dma_wait3A_300 : memref<128x128xf32, #tpu.memory_space<vmem>>)
        %dma_start3A = arith.constant 0 : i32
        %dma_start3A_304 = arith.constant 0 : i32
        %dma_start3A_305 = arith.constant 0 : i32
        %dma_start3A_306 = arith.constant 0 : i32
        %dma_start3A_307 = arith.constant 0 : i32
        %dma_start3A_308 = tpu.memref_slice %arg10[%dma_start3A_304, %dma_start3A_306, %dma_start3A_307] : memref<4x128x128xf32, #tpu.memory_space<vmem>> -> memref<1x128x128xf32, #tpu.memory_space<vmem>>
        %dma_start3A_309 = tpu.memref_squeeze %dma_start3A_308 : memref<1x128x128xf32, #tpu.memory_space<vmem>> -> memref<128x128xf32, #tpu.memory_space<vmem>>
        %dma_start3A_310 = arith.constant 0 : i32
        %dma_start3A_311 = tpu.memref_slice %arg9[%dma_start3A, %dma_start3A_310] : memref<4x128xi32, #tpu.memory_space<vmem>> -> memref<1x128xi32, #tpu.memory_space<vmem>>
        %dma_start3A_312 = tpu.memref_squeeze %dma_start3A_311 : memref<1x128xi32, #tpu.memory_space<vmem>> -> memref<128xi32, #tpu.memory_space<vmem>>
        %dma_start3A_313 = arith.constant 0 : i32
        %dma_start3A_314 = arith.constant 0 : i32
        %dma_start3A_315 = tpu.memref_slice %arg12[%dma_start3A_313, %dma_start3A_314] : memref<512x128xf32, #tpu.memory_space<vmem_shared>> -> memref<512x128xf32, #tpu.memory_space<vmem_shared>>
        %dma_start3A_316 = tpu.memref_slice %arg14[%dma_start3A_305] : memref<4x!tpu.dma_semaphore, #tpu.memory_space<semaphore_mem>> -> memref<1x!tpu.dma_semaphore, #tpu.memory_space<semaphore_mem>>
        %dma_start3A_317 = tpu.memref_squeeze %dma_start3A_316 : memref<1x!tpu.dma_semaphore, #tpu.memory_space<semaphore_mem>> -> memref<!tpu.dma_semaphore, #tpu.memory_space<semaphore_mem>>
        tpu.enqueue_indirect_dma source(%dma_start3A_315 : memref<512x128xf32, #tpu.memory_space<vmem_shared>>) target(%dma_start3A_309 : memref<128x128xf32, #tpu.memory_space<vmem>>) offsets(%dma_start3A_312 : memref<128xi32, #tpu.memory_space<vmem>>) semaphore(%dma_start3A_317 : memref<!tpu.dma_semaphore, #tpu.memory_space<semaphore_mem>>) {add = true}
      } else {
      }
      %add3A_207 = arith.constant 2 : i32
      %add3A_208 = arith.addi %mul3A_67, %add3A_207 : i32
      %sub3A_209 = arith.constant 1 : i32
      %sub3A_210 = arith.subi %add3A_208, %sub3A_209 : i32
      %mul3A_211 = arith.constant 32 : i32
      %mul3A_212 = arith.muli %sub3A_210, %mul3A_211 : i32
      %add3A_213 = arith.addi %add3A, %mul3A_212 : i32
      %ge3A_214 = arith.constant 0 : i32
      %ge3A_215 = arith.cmpi sge, %sub3A_210, %ge3A_214 : i32
      %lt3A_216 = arith.constant 782 : i32
      %lt3A_217 = arith.cmpi slt, %add3A_213, %lt3A_216 : i32
      %and3A_218 = arith.andi %ge3A_215, %lt3A_217 : i1
      %convert_element_type3A_219 = arith.extui %and3A_218 : i1 to i32
      %cond3A_220 = arith.constant 0 : i32
      %cond3A_221 = arith.cmpi ne, %convert_element_type3A_219, %cond3A_220 : i32
      scf.if %cond3A_221 {
        %dma_wait3A = arith.constant 1 : i32
        %dma_wait3A_287 = arith.constant 1 : i32
        %dma_wait3A_288 = arith.constant 0 : i32
        %dma_wait3A_289 = tpu.memref_slice %arg8[%dma_wait3A, %dma_wait3A_288] : memref<4x128xi32, #tpu.memory_space<vmem>> -> memref<1x128xi32, #tpu.memory_space<vmem>>
        %dma_wait3A_290 = tpu.memref_squeeze %dma_wait3A_289 : memref<1x128xi32, #tpu.memory_space<vmem>> -> memref<128xi32, #tpu.memory_space<vmem>>
        %dma_wait3A_291 = arith.constant 0 : i32
        %dma_wait3A_292 = tpu.memref_slice %arg3[%dma_wait3A_291] : memref<100000xi32, #tpu.memory_space<hbm>> -> memref<128xi32, #tpu.memory_space<hbm>>
        %dma_wait3A_293 = tpu.memref_slice %arg13[%dma_wait3A_287] : memref<4x!tpu.dma_semaphore, #tpu.memory_space<semaphore_mem>> -> memref<1x!tpu.dma_semaphore, #tpu.memory_space<semaphore_mem>>
        %dma_wait3A_294 = tpu.memref_squeeze %dma_wait3A_293 : memref<1x!tpu.dma_semaphore, #tpu.memory_space<semaphore_mem>> -> memref<!tpu.dma_semaphore, #tpu.memory_space<semaphore_mem>>
        %dma_wait3A_295 = arith.constant 0 : i32
        %dma_wait3A_296 = tpu.memref_slice %arg8[%dma_wait3A, %dma_wait3A_295] : memref<4x128xi32, #tpu.memory_space<vmem>> -> memref<1x128xi32, #tpu.memory_space<vmem>>
        %dma_wait3A_297 = tpu.memref_squeeze %dma_wait3A_296 : memref<1x128xi32, #tpu.memory_space<vmem>> -> memref<128xi32, #tpu.memory_space<vmem>>
        %dma_wait3A_298 = arith.constant 0 : i32
        %dma_wait3A_299 = tpu.memref_slice %arg3[%dma_wait3A_298] : memref<100000xi32, #tpu.memory_space<hbm>> -> memref<128xi32, #tpu.memory_space<hbm>>
        tpu.wait_dma2 semaphore(%dma_wait3A_294 : memref<!tpu.dma_semaphore, #tpu.memory_space<semaphore_mem>>) src(%dma_wait3A_299 : memref<128xi32, #tpu.memory_space<hbm>>) dst(%dma_wait3A_297 : memref<128xi32, #tpu.memory_space<vmem>>)
        %dma_wait3A_300 = arith.constant 1 : i32
        %dma_wait3A_301 = arith.constant 1 : i32
        %dma_wait3A_302 = arith.constant 0 : i32
        %dma_wait3A_303 = tpu.memref_slice %arg9[%dma_wait3A_300, %dma_wait3A_302] : memref<4x128xi32, #tpu.memory_space<vmem>> -> memref<1x128xi32, #tpu.memory_space<vmem>>
        %dma_wait3A_304 = tpu.memref_squeeze %dma_wait3A_303 : memref<1x128xi32, #tpu.memory_space<vmem>> -> memref<128xi32, #tpu.memory_space<vmem>>
        %dma_wait3A_305 = arith.constant 0 : i32
        %dma_wait3A_306 = tpu.memref_slice %arg4[%dma_wait3A_305] : memref<100000xi32, #tpu.memory_space<hbm>> -> memref<128xi32, #tpu.memory_space<hbm>>
        %dma_wait3A_307 = tpu.memref_slice %arg13[%dma_wait3A_301] : memref<4x!tpu.dma_semaphore, #tpu.memory_space<semaphore_mem>> -> memref<1x!tpu.dma_semaphore, #tpu.memory_space<semaphore_mem>>
        %dma_wait3A_308 = tpu.memref_squeeze %dma_wait3A_307 : memref<1x!tpu.dma_semaphore, #tpu.memory_space<semaphore_mem>> -> memref<!tpu.dma_semaphore, #tpu.memory_space<semaphore_mem>>
        %dma_wait3A_309 = arith.constant 0 : i32
        %dma_wait3A_310 = tpu.memref_slice %arg9[%dma_wait3A_300, %dma_wait3A_309] : memref<4x128xi32, #tpu.memory_space<vmem>> -> memref<1x128xi32, #tpu.memory_space<vmem>>
        %dma_wait3A_311 = tpu.memref_squeeze %dma_wait3A_310 : memref<1x128xi32, #tpu.memory_space<vmem>> -> memref<128xi32, #tpu.memory_space<vmem>>
        %dma_wait3A_312 = arith.constant 0 : i32
        %dma_wait3A_313 = tpu.memref_slice %arg4[%dma_wait3A_312] : memref<100000xi32, #tpu.memory_space<hbm>> -> memref<128xi32, #tpu.memory_space<hbm>>
        tpu.wait_dma2 semaphore(%dma_wait3A_308 : memref<!tpu.dma_semaphore, #tpu.memory_space<semaphore_mem>>) src(%dma_wait3A_313 : memref<128xi32, #tpu.memory_space<hbm>>) dst(%dma_wait3A_311 : memref<128xi32, #tpu.memory_space<vmem>>)
        %dma_wait3A_314 = arith.constant 1 : i32
        %dma_wait3A_315 = arith.constant 1 : i32
        %dma_wait3A_316 = arith.constant 0 : i32
        %dma_wait3A_317 = arith.constant 0 : i32
        %dma_wait3A_318 = tpu.memref_slice %arg10[%dma_wait3A_314, %dma_wait3A_316, %dma_wait3A_317] : memref<4x128x128xf32, #tpu.memory_space<vmem>> -> memref<1x128x128xf32, #tpu.memory_space<vmem>>
        %dma_wait3A_319 = tpu.memref_squeeze %dma_wait3A_318 : memref<1x128x128xf32, #tpu.memory_space<vmem>> -> memref<128x128xf32, #tpu.memory_space<vmem>>
        %dma_wait3A_320 = arith.constant 0 : i32
        %dma_wait3A_321 = arith.constant 0 : i32
        %dma_wait3A_322 = tpu.memref_slice %arg2[%dma_wait3A_320, %dma_wait3A_321] : memref<100000x128xf32, #tpu.memory_space<hbm>> -> memref<128x128xf32, #tpu.memory_space<hbm>>
        %dma_wait3A_323 = tpu.memref_slice %arg13[%dma_wait3A_315] : memref<4x!tpu.dma_semaphore, #tpu.memory_space<semaphore_mem>> -> memref<1x!tpu.dma_semaphore, #tpu.memory_space<semaphore_mem>>
        %dma_wait3A_324 = tpu.memref_squeeze %dma_wait3A_323 : memref<1x!tpu.dma_semaphore, #tpu.memory_space<semaphore_mem>> -> memref<!tpu.dma_semaphore, #tpu.memory_space<semaphore_mem>>
        %dma_wait3A_325 = arith.constant 0 : i32
        %dma_wait3A_326 = arith.constant 0 : i32
        %dma_wait3A_327 = tpu.memref_slice %arg10[%dma_wait3A_314, %dma_wait3A_325, %dma_wait3A_326] : memref<4x128x128xf32, #tpu.memory_space<vmem>> -> memref<1x128x128xf32, #tpu.memory_space<vmem>>
        %dma_wait3A_328 = tpu.memref_squeeze %dma_wait3A_327 : memref<1x128x128xf32, #tpu.memory_space<vmem>> -> memref<128x128xf32, #tpu.memory_space<vmem>>
        %dma_wait3A_329 = arith.constant 0 : i32
        %dma_wait3A_330 = arith.constant 0 : i32
        %dma_wait3A_331 = tpu.memref_slice %arg2[%dma_wait3A_329, %dma_wait3A_330] : memref<100000x128xf32, #tpu.memory_space<hbm>> -> memref<128x128xf32, #tpu.memory_space<hbm>>
        tpu.wait_dma2 semaphore(%dma_wait3A_324 : memref<!tpu.dma_semaphore, #tpu.memory_space<semaphore_mem>>) src(%dma_wait3A_331 : memref<128x128xf32, #tpu.memory_space<hbm>>) dst(%dma_wait3A_328 : memref<128x128xf32, #tpu.memory_space<vmem>>)
        %dma_start3A = arith.constant 1 : i32
        %dma_start3A_332 = arith.constant 1 : i32
        %dma_start3A_333 = arith.constant 1 : i32
        %dma_start3A_334 = arith.constant 0 : i32
        %dma_start3A_335 = arith.constant 0 : i32
        %dma_start3A_336 = tpu.memref_slice %arg10[%dma_start3A_332, %dma_start3A_334, %dma_start3A_335] : memref<4x128x128xf32, #tpu.memory_space<vmem>> -> memref<1x128x128xf32, #tpu.memory_space<vmem>>
        %dma_start3A_337 = tpu.memref_squeeze %dma_start3A_336 : memref<1x128x128xf32, #tpu.memory_space<vmem>> -> memref<128x128xf32, #tpu.memory_space<vmem>>
        %dma_start3A_338 = arith.constant 0 : i32
        %dma_start3A_339 = tpu.memref_slice %arg8[%dma_start3A, %dma_start3A_338] : memref<4x128xi32, #tpu.memory_space<vmem>> -> memref<1x128xi32, #tpu.memory_space<vmem>>
        %dma_start3A_340 = tpu.memref_squeeze %dma_start3A_339 : memref<1x128xi32, #tpu.memory_space<vmem>> -> memref<128xi32, #tpu.memory_space<vmem>>
        %dma_start3A_341 = arith.constant 0 : i32
        %dma_start3A_342 = arith.constant 0 : i32
        %dma_start3A_343 = tpu.memref_slice %arg11[%dma_start3A_341, %dma_start3A_342] : memref<512x128xf32, #tpu.memory_space<vmem_shared>> -> memref<512x128xf32, #tpu.memory_space<vmem_shared>>
        %dma_start3A_344 = tpu.memref_slice %arg14[%dma_start3A_333] : memref<4x!tpu.dma_semaphore, #tpu.memory_space<semaphore_mem>> -> memref<1x!tpu.dma_semaphore, #tpu.memory_space<semaphore_mem>>
        %dma_start3A_345 = tpu.memref_squeeze %dma_start3A_344 : memref<1x!tpu.dma_semaphore, #tpu.memory_space<semaphore_mem>> -> memref<!tpu.dma_semaphore, #tpu.memory_space<semaphore_mem>>
        tpu.enqueue_indirect_dma source(%dma_start3A_343 : memref<512x128xf32, #tpu.memory_space<vmem_shared>>) target(%dma_start3A_337 : memref<128x128xf32, #tpu.memory_space<vmem>>) offsets(%dma_start3A_340 : memref<128xi32, #tpu.memory_space<vmem>>) semaphore(%dma_start3A_345 : memref<!tpu.dma_semaphore, #tpu.memory_space<semaphore_mem>>) {add = true}
      } else {
      }
      %add3A_222 = arith.constant 2 : i32
      %add3A_223 = arith.addi %mul3A_67, %add3A_222 : i32
      %mul3A_224 = arith.constant 32 : i32
      %mul3A_225 = arith.muli %add3A_223, %mul3A_224 : i32
      %add3A_226 = arith.addi %add3A, %mul3A_225 : i32
      %lt3A_227 = arith.constant 782 : i32
      %lt3A_228 = arith.cmpi slt, %add3A_226, %lt3A_227 : i32
      %convert_element_type3A_229 = arith.extui %lt3A_228 : i1 to i32
      %cond3A_230 = arith.constant 0 : i32
      %cond3A_231 = arith.cmpi ne, %convert_element_type3A_229, %cond3A_230 : i32
      scf.if %cond3A_231 {
        %ge3A_287 = arith.constant 4 : i32
        %ge3A_288 = arith.cmpi sge, %add3A_223, %ge3A_287 : i32
        %convert_element_type3A_289 = arith.extui %ge3A_288 : i1 to i32
        %cond3A_290 = arith.constant 0 : i32
        %cond3A_291 = arith.cmpi ne, %convert_element_type3A_289, %cond3A_290 : i32
        scf.if %cond3A_291 {
          %dma_wait3A = arith.constant 2 : i32
          %dma_wait3A_334 = arith.constant 2 : i32
          %dma_wait3A_335 = arith.constant 0 : i32
          %dma_wait3A_336 = arith.constant 0 : i32
          %dma_wait3A_337 = tpu.memref_slice %arg10[%dma_wait3A, %dma_wait3A_335, %dma_wait3A_336] : memref<4x128x128xf32, #tpu.memory_space<vmem>> -> memref<1x128x128xf32, #tpu.memory_space<vmem>>
          %dma_wait3A_338 = tpu.memref_squeeze %dma_wait3A_337 : memref<1x128x128xf32, #tpu.memory_space<vmem>> -> memref<128x128xf32, #tpu.memory_space<vmem>>
          %dma_wait3A_339 = arith.constant 0 : i32
          %dma_wait3A_340 = arith.constant 0 : i32
          %dma_wait3A_341 = tpu.memref_slice %arg7[%dma_wait3A_339, %dma_wait3A_340] : memref<100000x128xf32, #tpu.memory_space<hbm>> -> memref<128x128xf32, #tpu.memory_space<hbm>>
          %dma_wait3A_342 = tpu.memref_slice %arg15[%dma_wait3A_334] : memref<4x!tpu.dma_semaphore, #tpu.memory_space<semaphore_mem>> -> memref<1x!tpu.dma_semaphore, #tpu.memory_space<semaphore_mem>>
          %dma_wait3A_343 = tpu.memref_squeeze %dma_wait3A_342 : memref<1x!tpu.dma_semaphore, #tpu.memory_space<semaphore_mem>> -> memref<!tpu.dma_semaphore, #tpu.memory_space<semaphore_mem>>
          %dma_wait3A_344 = arith.constant 0 : i32
          %dma_wait3A_345 = arith.constant 0 : i32
          %dma_wait3A_346 = tpu.memref_slice %arg7[%dma_wait3A_344, %dma_wait3A_345] : memref<100000x128xf32, #tpu.memory_space<hbm>> -> memref<128x128xf32, #tpu.memory_space<hbm>>
          %dma_wait3A_347 = arith.constant 0 : i32
          %dma_wait3A_348 = arith.constant 0 : i32
          %dma_wait3A_349 = tpu.memref_slice %arg10[%dma_wait3A, %dma_wait3A_347, %dma_wait3A_348] : memref<4x128x128xf32, #tpu.memory_space<vmem>> -> memref<1x128x128xf32, #tpu.memory_space<vmem>>
          %dma_wait3A_350 = tpu.memref_squeeze %dma_wait3A_349 : memref<1x128x128xf32, #tpu.memory_space<vmem>> -> memref<128x128xf32, #tpu.memory_space<vmem>>
          tpu.wait_dma2 semaphore(%dma_wait3A_343 : memref<!tpu.dma_semaphore, #tpu.memory_space<semaphore_mem>>) src(%dma_wait3A_350 : memref<128x128xf32, #tpu.memory_space<vmem>>) dst(%dma_wait3A_346 : memref<128x128xf32, #tpu.memory_space<hbm>>)
        } else {
        }
        %mul3A_292 = arith.constant 128 : i32
        %mul3A_293 = arith.muli %add3A_226, %mul3A_292 : i32
        %min3A = arith.constant 99872 : i32
        %min3A_294 = arith.minsi %mul3A_293, %min3A : i32
        %dma_start3A = arith.constant 2 : i32
        %dma_start3A_295 = arith.constant 2 : i32
        %dma_start3A_296 = arith.constant 0 : i32
        %dma_start3A_297 = tpu.memref_slice %arg8[%dma_start3A, %dma_start3A_296] : memref<4x128xi32, #tpu.memory_space<vmem>> -> memref<1x128xi32, #tpu.memory_space<vmem>>
        %dma_start3A_298 = tpu.memref_squeeze %dma_start3A_297 : memref<1x128xi32, #tpu.memory_space<vmem>> -> memref<128xi32, #tpu.memory_space<vmem>>
        %dma_start3A_299 = tpu.memref_slice %arg3[%min3A_294] : memref<100000xi32, #tpu.memory_space<hbm>> -> memref<128xi32, #tpu.memory_space<hbm>>
        %dma_start3A_300 = tpu.memref_slice %arg13[%dma_start3A_295] : memref<4x!tpu.dma_semaphore, #tpu.memory_space<semaphore_mem>> -> memref<1x!tpu.dma_semaphore, #tpu.memory_space<semaphore_mem>>
        %dma_start3A_301 = tpu.memref_squeeze %dma_start3A_300 : memref<1x!tpu.dma_semaphore, #tpu.memory_space<semaphore_mem>> -> memref<!tpu.dma_semaphore, #tpu.memory_space<semaphore_mem>>
        %dma_start3A_302 = arith.constant 0 : i32
        %dma_start3A_303 = tpu.memref_slice %arg8[%dma_start3A, %dma_start3A_302] : memref<4x128xi32, #tpu.memory_space<vmem>> -> memref<1x128xi32, #tpu.memory_space<vmem>>
        %dma_start3A_304 = tpu.memref_squeeze %dma_start3A_303 : memref<1x128xi32, #tpu.memory_space<vmem>> -> memref<128xi32, #tpu.memory_space<vmem>>
        %dma_start3A_305 = tpu.memref_slice %arg3[%min3A_294] : memref<100000xi32, #tpu.memory_space<hbm>> -> memref<128xi32, #tpu.memory_space<hbm>>
        tpu.enqueue_dma source(%dma_start3A_305 : memref<128xi32, #tpu.memory_space<hbm>>) target(%dma_start3A_304 : memref<128xi32, #tpu.memory_space<vmem>>) target_semaphore(%dma_start3A_301 : memref<!tpu.dma_semaphore, #tpu.memory_space<semaphore_mem>>)
        %dma_start3A_306 = arith.constant 2 : i32
        %dma_start3A_307 = arith.constant 2 : i32
        %dma_start3A_308 = arith.constant 0 : i32
        %dma_start3A_309 = tpu.memref_slice %arg9[%dma_start3A_306, %dma_start3A_308] : memref<4x128xi32, #tpu.memory_space<vmem>> -> memref<1x128xi32, #tpu.memory_space<vmem>>
        %dma_start3A_310 = tpu.memref_squeeze %dma_start3A_309 : memref<1x128xi32, #tpu.memory_space<vmem>> -> memref<128xi32, #tpu.memory_space<vmem>>
        %dma_start3A_311 = tpu.memref_slice %arg4[%min3A_294] : memref<100000xi32, #tpu.memory_space<hbm>> -> memref<128xi32, #tpu.memory_space<hbm>>
        %dma_start3A_312 = tpu.memref_slice %arg13[%dma_start3A_307] : memref<4x!tpu.dma_semaphore, #tpu.memory_space<semaphore_mem>> -> memref<1x!tpu.dma_semaphore, #tpu.memory_space<semaphore_mem>>
        %dma_start3A_313 = tpu.memref_squeeze %dma_start3A_312 : memref<1x!tpu.dma_semaphore, #tpu.memory_space<semaphore_mem>> -> memref<!tpu.dma_semaphore, #tpu.memory_space<semaphore_mem>>
        %dma_start3A_314 = arith.constant 0 : i32
        %dma_start3A_315 = tpu.memref_slice %arg9[%dma_start3A_306, %dma_start3A_314] : memref<4x128xi32, #tpu.memory_space<vmem>> -> memref<1x128xi32, #tpu.memory_space<vmem>>
        %dma_start3A_316 = tpu.memref_squeeze %dma_start3A_315 : memref<1x128xi32, #tpu.memory_space<vmem>> -> memref<128xi32, #tpu.memory_space<vmem>>
        %dma_start3A_317 = tpu.memref_slice %arg4[%min3A_294] : memref<100000xi32, #tpu.memory_space<hbm>> -> memref<128xi32, #tpu.memory_space<hbm>>
        tpu.enqueue_dma source(%dma_start3A_317 : memref<128xi32, #tpu.memory_space<hbm>>) target(%dma_start3A_316 : memref<128xi32, #tpu.memory_space<vmem>>) target_semaphore(%dma_start3A_313 : memref<!tpu.dma_semaphore, #tpu.memory_space<semaphore_mem>>)
        %dma_start3A_318 = arith.constant 2 : i32
        %dma_start3A_319 = arith.constant 2 : i32
        %dma_start3A_320 = arith.constant 0 : i32
        %dma_start3A_321 = arith.constant 0 : i32
        %dma_start3A_322 = tpu.memref_slice %arg10[%dma_start3A_318, %dma_start3A_320, %dma_start3A_321] : memref<4x128x128xf32, #tpu.memory_space<vmem>> -> memref<1x128x128xf32, #tpu.memory_space<vmem>>
        %dma_start3A_323 = tpu.memref_squeeze %dma_start3A_322 : memref<1x128x128xf32, #tpu.memory_space<vmem>> -> memref<128x128xf32, #tpu.memory_space<vmem>>
        %dma_start3A_324 = arith.constant 0 : i32
        %dma_start3A_325 = tpu.memref_slice %arg2[%min3A_294, %dma_start3A_324] : memref<100000x128xf32, #tpu.memory_space<hbm>> -> memref<128x128xf32, #tpu.memory_space<hbm>>
        %dma_start3A_326 = tpu.memref_slice %arg13[%dma_start3A_319] : memref<4x!tpu.dma_semaphore, #tpu.memory_space<semaphore_mem>> -> memref<1x!tpu.dma_semaphore, #tpu.memory_space<semaphore_mem>>
        %dma_start3A_327 = tpu.memref_squeeze %dma_start3A_326 : memref<1x!tpu.dma_semaphore, #tpu.memory_space<semaphore_mem>> -> memref<!tpu.dma_semaphore, #tpu.memory_space<semaphore_mem>>
        %dma_start3A_328 = arith.constant 0 : i32
        %dma_start3A_329 = arith.constant 0 : i32
        %dma_start3A_330 = tpu.memref_slice %arg10[%dma_start3A_318, %dma_start3A_328, %dma_start3A_329] : memref<4x128x128xf32, #tpu.memory_space<vmem>> -> memref<1x128x128xf32, #tpu.memory_space<vmem>>
        %dma_start3A_331 = tpu.memref_squeeze %dma_start3A_330 : memref<1x128x128xf32, #tpu.memory_space<vmem>> -> memref<128x128xf32, #tpu.memory_space<vmem>>
        %dma_start3A_332 = arith.constant 0 : i32
        %dma_start3A_333 = tpu.memref_slice %arg2[%min3A_294, %dma_start3A_332] : memref<100000x128xf32, #tpu.memory_space<hbm>> -> memref<128x128xf32, #tpu.memory_space<hbm>>
        tpu.enqueue_dma source(%dma_start3A_333 : memref<128x128xf32, #tpu.memory_space<hbm>>) target(%dma_start3A_331 : memref<128x128xf32, #tpu.memory_space<vmem>>) target_semaphore(%dma_start3A_327 : memref<!tpu.dma_semaphore, #tpu.memory_space<semaphore_mem>>)
      } else {
      }
      %add3A_232 = arith.constant 3 : i32
      %add3A_233 = arith.addi %mul3A_67, %add3A_232 : i32
      %sub3A_234 = arith.constant 3 : i32
      %sub3A_235 = arith.subi %add3A_233, %sub3A_234 : i32
      %mul3A_236 = arith.constant 32 : i32
      %mul3A_237 = arith.muli %sub3A_235, %mul3A_236 : i32
      %add3A_238 = arith.addi %add3A, %mul3A_237 : i32
      %ge3A_239 = arith.constant 0 : i32
      %ge3A_240 = arith.cmpi sge, %sub3A_235, %ge3A_239 : i32
      %lt3A_241 = arith.constant 782 : i32
      %lt3A_242 = arith.cmpi slt, %add3A_238, %lt3A_241 : i32
      %and3A_243 = arith.andi %ge3A_240, %lt3A_242 : i1
      %convert_element_type3A_244 = arith.extui %and3A_243 : i1 to i32
      %cond3A_245 = arith.constant 0 : i32
      %cond3A_246 = arith.cmpi ne, %convert_element_type3A_244, %cond3A_245 : i32
      scf.if %cond3A_246 {
        %dma_wait3A = arith.constant 0 : i32
        %dma_wait3A_287 = arith.constant 0 : i32
        %dma_wait3A_288 = arith.constant 0 : i32
        %dma_wait3A_289 = arith.constant 0 : i32
        %dma_wait3A_290 = tpu.memref_slice %arg10[%dma_wait3A, %dma_wait3A_288, %dma_wait3A_289] : memref<4x128x128xf32, #tpu.memory_space<vmem>> -> memref<1x128x128xf32, #tpu.memory_space<vmem>>
        %dma_wait3A_291 = tpu.memref_squeeze %dma_wait3A_290 : memref<1x128x128xf32, #tpu.memory_space<vmem>> -> memref<128x128xf32, #tpu.memory_space<vmem>>
        %dma_wait3A_292 = arith.constant 0 : i32
        %dma_wait3A_293 = arith.constant 0 : i32
        %dma_wait3A_294 = tpu.memref_slice %arg2[%dma_wait3A_292, %dma_wait3A_293] : memref<100000x128xf32, #tpu.memory_space<hbm>> -> memref<128x128xf32, #tpu.memory_space<hbm>>
        %dma_wait3A_295 = tpu.memref_slice %arg14[%dma_wait3A_287] : memref<4x!tpu.dma_semaphore, #tpu.memory_space<semaphore_mem>> -> memref<1x!tpu.dma_semaphore, #tpu.memory_space<semaphore_mem>>
        %dma_wait3A_296 = tpu.memref_squeeze %dma_wait3A_295 : memref<1x!tpu.dma_semaphore, #tpu.memory_space<semaphore_mem>> -> memref<!tpu.dma_semaphore, #tpu.memory_space<semaphore_mem>>
        %dma_wait3A_297 = arith.constant 0 : i32
        %dma_wait3A_298 = arith.constant 0 : i32
        %dma_wait3A_299 = tpu.memref_slice %arg10[%dma_wait3A, %dma_wait3A_297, %dma_wait3A_298] : memref<4x128x128xf32, #tpu.memory_space<vmem>> -> memref<1x128x128xf32, #tpu.memory_space<vmem>>
        %dma_wait3A_300 = tpu.memref_squeeze %dma_wait3A_299 : memref<1x128x128xf32, #tpu.memory_space<vmem>> -> memref<128x128xf32, #tpu.memory_space<vmem>>
        %dma_wait3A_301 = arith.constant 0 : i32
        %dma_wait3A_302 = arith.constant 0 : i32
        %dma_wait3A_303 = tpu.memref_slice %arg2[%dma_wait3A_301, %dma_wait3A_302] : memref<100000x128xf32, #tpu.memory_space<hbm>> -> memref<128x128xf32, #tpu.memory_space<hbm>>
        tpu.wait_dma2 semaphore(%dma_wait3A_296 : memref<!tpu.dma_semaphore, #tpu.memory_space<semaphore_mem>>) src(%dma_wait3A_303 : memref<128x128xf32, #tpu.memory_space<hbm>>) dst(%dma_wait3A_300 : memref<128x128xf32, #tpu.memory_space<vmem>>)
        %mul3A_304 = arith.constant 128 : i32
        %mul3A_305 = arith.muli %add3A_238, %mul3A_304 : i32
        %min3A = arith.constant 99872 : i32
        %min3A_306 = arith.minsi %mul3A_305, %min3A : i32
        %dma_start3A = arith.constant 0 : i32
        %dma_start3A_307 = arith.constant 0 : i32
        %dma_start3A_308 = arith.constant 0 : i32
        %dma_start3A_309 = arith.constant 0 : i32
        %dma_start3A_310 = tpu.memref_slice %arg10[%dma_start3A, %dma_start3A_308, %dma_start3A_309] : memref<4x128x128xf32, #tpu.memory_space<vmem>> -> memref<1x128x128xf32, #tpu.memory_space<vmem>>
        %dma_start3A_311 = tpu.memref_squeeze %dma_start3A_310 : memref<1x128x128xf32, #tpu.memory_space<vmem>> -> memref<128x128xf32, #tpu.memory_space<vmem>>
        %dma_start3A_312 = arith.constant 0 : i32
        %dma_start3A_313 = tpu.memref_slice %arg7[%min3A_306, %dma_start3A_312] : memref<100000x128xf32, #tpu.memory_space<hbm>> -> memref<128x128xf32, #tpu.memory_space<hbm>>
        %dma_start3A_314 = tpu.memref_slice %arg15[%dma_start3A_307] : memref<4x!tpu.dma_semaphore, #tpu.memory_space<semaphore_mem>> -> memref<1x!tpu.dma_semaphore, #tpu.memory_space<semaphore_mem>>
        %dma_start3A_315 = tpu.memref_squeeze %dma_start3A_314 : memref<1x!tpu.dma_semaphore, #tpu.memory_space<semaphore_mem>> -> memref<!tpu.dma_semaphore, #tpu.memory_space<semaphore_mem>>
        %dma_start3A_316 = arith.constant 0 : i32
        %dma_start3A_317 = tpu.memref_slice %arg7[%min3A_306, %dma_start3A_316] : memref<100000x128xf32, #tpu.memory_space<hbm>> -> memref<128x128xf32, #tpu.memory_space<hbm>>
        %dma_start3A_318 = arith.constant 0 : i32
        %dma_start3A_319 = arith.constant 0 : i32
        %dma_start3A_320 = tpu.memref_slice %arg10[%dma_start3A, %dma_start3A_318, %dma_start3A_319] : memref<4x128x128xf32, #tpu.memory_space<vmem>> -> memref<1x128x128xf32, #tpu.memory_space<vmem>>
        %dma_start3A_321 = tpu.memref_squeeze %dma_start3A_320 : memref<1x128x128xf32, #tpu.memory_space<vmem>> -> memref<128x128xf32, #tpu.memory_space<vmem>>
        tpu.enqueue_dma source(%dma_start3A_321 : memref<128x128xf32, #tpu.memory_space<vmem>>) target(%dma_start3A_317 : memref<128x128xf32, #tpu.memory_space<hbm>>) target_semaphore(%dma_start3A_315 : memref<!tpu.dma_semaphore, #tpu.memory_space<semaphore_mem>>)
      } else {
      }
      %add3A_247 = arith.constant 3 : i32
      %add3A_248 = arith.addi %mul3A_67, %add3A_247 : i32
      %sub3A_249 = arith.constant 2 : i32
      %sub3A_250 = arith.subi %add3A_248, %sub3A_249 : i32
      %mul3A_251 = arith.constant 32 : i32
      %mul3A_252 = arith.muli %sub3A_250, %mul3A_251 : i32
      %add3A_253 = arith.addi %add3A, %mul3A_252 : i32
      %ge3A_254 = arith.constant 0 : i32
      %ge3A_255 = arith.cmpi sge, %sub3A_250, %ge3A_254 : i32
      %lt3A_256 = arith.constant 782 : i32
      %lt3A_257 = arith.cmpi slt, %add3A_253, %lt3A_256 : i32
      %and3A_258 = arith.andi %ge3A_255, %lt3A_257 : i1
      %convert_element_type3A_259 = arith.extui %and3A_258 : i1 to i32
      %cond3A_260 = arith.constant 0 : i32
      %cond3A_261 = arith.cmpi ne, %convert_element_type3A_259, %cond3A_260 : i32
      scf.if %cond3A_261 {
        %dma_wait3A = arith.constant 1 : i32
        %dma_wait3A_287 = arith.constant 1 : i32
        %dma_wait3A_288 = arith.constant 0 : i32
        %dma_wait3A_289 = arith.constant 0 : i32
        %dma_wait3A_290 = tpu.memref_slice %arg10[%dma_wait3A, %dma_wait3A_288, %dma_wait3A_289] : memref<4x128x128xf32, #tpu.memory_space<vmem>> -> memref<1x128x128xf32, #tpu.memory_space<vmem>>
        %dma_wait3A_291 = tpu.memref_squeeze %dma_wait3A_290 : memref<1x128x128xf32, #tpu.memory_space<vmem>> -> memref<128x128xf32, #tpu.memory_space<vmem>>
        %dma_wait3A_292 = arith.constant 0 : i32
        %dma_wait3A_293 = arith.constant 0 : i32
        %dma_wait3A_294 = tpu.memref_slice %arg2[%dma_wait3A_292, %dma_wait3A_293] : memref<100000x128xf32, #tpu.memory_space<hbm>> -> memref<128x128xf32, #tpu.memory_space<hbm>>
        %dma_wait3A_295 = tpu.memref_slice %arg14[%dma_wait3A_287] : memref<4x!tpu.dma_semaphore, #tpu.memory_space<semaphore_mem>> -> memref<1x!tpu.dma_semaphore, #tpu.memory_space<semaphore_mem>>
        %dma_wait3A_296 = tpu.memref_squeeze %dma_wait3A_295 : memref<1x!tpu.dma_semaphore, #tpu.memory_space<semaphore_mem>> -> memref<!tpu.dma_semaphore, #tpu.memory_space<semaphore_mem>>
        %dma_wait3A_297 = arith.constant 0 : i32
        %dma_wait3A_298 = arith.constant 0 : i32
        %dma_wait3A_299 = tpu.memref_slice %arg10[%dma_wait3A, %dma_wait3A_297, %dma_wait3A_298] : memref<4x128x128xf32, #tpu.memory_space<vmem>> -> memref<1x128x128xf32, #tpu.memory_space<vmem>>
        %dma_wait3A_300 = tpu.memref_squeeze %dma_wait3A_299 : memref<1x128x128xf32, #tpu.memory_space<vmem>> -> memref<128x128xf32, #tpu.memory_space<vmem>>
        %dma_wait3A_301 = arith.constant 0 : i32
        %dma_wait3A_302 = arith.constant 0 : i32
        %dma_wait3A_303 = tpu.memref_slice %arg2[%dma_wait3A_301, %dma_wait3A_302] : memref<100000x128xf32, #tpu.memory_space<hbm>> -> memref<128x128xf32, #tpu.memory_space<hbm>>
        tpu.wait_dma2 semaphore(%dma_wait3A_296 : memref<!tpu.dma_semaphore, #tpu.memory_space<semaphore_mem>>) src(%dma_wait3A_303 : memref<128x128xf32, #tpu.memory_space<hbm>>) dst(%dma_wait3A_300 : memref<128x128xf32, #tpu.memory_space<vmem>>)
        %dma_start3A = arith.constant 1 : i32
        %dma_start3A_304 = arith.constant 1 : i32
        %dma_start3A_305 = arith.constant 1 : i32
        %dma_start3A_306 = arith.constant 0 : i32
        %dma_start3A_307 = arith.constant 0 : i32
        %dma_start3A_308 = tpu.memref_slice %arg10[%dma_start3A_304, %dma_start3A_306, %dma_start3A_307] : memref<4x128x128xf32, #tpu.memory_space<vmem>> -> memref<1x128x128xf32, #tpu.memory_space<vmem>>
        %dma_start3A_309 = tpu.memref_squeeze %dma_start3A_308 : memref<1x128x128xf32, #tpu.memory_space<vmem>> -> memref<128x128xf32, #tpu.memory_space<vmem>>
        %dma_start3A_310 = arith.constant 0 : i32
        %dma_start3A_311 = tpu.memref_slice %arg9[%dma_start3A, %dma_start3A_310] : memref<4x128xi32, #tpu.memory_space<vmem>> -> memref<1x128xi32, #tpu.memory_space<vmem>>
        %dma_start3A_312 = tpu.memref_squeeze %dma_start3A_311 : memref<1x128xi32, #tpu.memory_space<vmem>> -> memref<128xi32, #tpu.memory_space<vmem>>
        %dma_start3A_313 = arith.constant 0 : i32
        %dma_start3A_314 = arith.constant 0 : i32
        %dma_start3A_315 = tpu.memref_slice %arg12[%dma_start3A_313, %dma_start3A_314] : memref<512x128xf32, #tpu.memory_space<vmem_shared>> -> memref<512x128xf32, #tpu.memory_space<vmem_shared>>
        %dma_start3A_316 = tpu.memref_slice %arg14[%dma_start3A_305] : memref<4x!tpu.dma_semaphore, #tpu.memory_space<semaphore_mem>> -> memref<1x!tpu.dma_semaphore, #tpu.memory_space<semaphore_mem>>
        %dma_start3A_317 = tpu.memref_squeeze %dma_start3A_316 : memref<1x!tpu.dma_semaphore, #tpu.memory_space<semaphore_mem>> -> memref<!tpu.dma_semaphore, #tpu.memory_space<semaphore_mem>>
        tpu.enqueue_indirect_dma source(%dma_start3A_315 : memref<512x128xf32, #tpu.memory_space<vmem_shared>>) target(%dma_start3A_309 : memref<128x128xf32, #tpu.memory_space<vmem>>) offsets(%dma_start3A_312 : memref<128xi32, #tpu.memory_space<vmem>>) semaphore(%dma_start3A_317 : memref<!tpu.dma_semaphore, #tpu.memory_space<semaphore_mem>>) {add = true}
      } else {
      }
      %add3A_262 = arith.constant 3 : i32
      %add3A_263 = arith.addi %mul3A_67, %add3A_262 : i32
      %sub3A_264 = arith.constant 1 : i32
      %sub3A_265 = arith.subi %add3A_263, %sub3A_264 : i32
      %mul3A_266 = arith.constant 32 : i32
      %mul3A_267 = arith.muli %sub3A_265, %mul3A_266 : i32
      %add3A_268 = arith.addi %add3A, %mul3A_267 : i32
      %ge3A_269 = arith.constant 0 : i32
      %ge3A_270 = arith.cmpi sge, %sub3A_265, %ge3A_269 : i32
      %lt3A_271 = arith.constant 782 : i32
      %lt3A_272 = arith.cmpi slt, %add3A_268, %lt3A_271 : i32
      %and3A_273 = arith.andi %ge3A_270, %lt3A_272 : i1
      %convert_element_type3A_274 = arith.extui %and3A_273 : i1 to i32
      %cond3A_275 = arith.constant 0 : i32
      %cond3A_276 = arith.cmpi ne, %convert_element_type3A_274, %cond3A_275 : i32
      scf.if %cond3A_276 {
        %dma_wait3A = arith.constant 2 : i32
        %dma_wait3A_287 = arith.constant 2 : i32
        %dma_wait3A_288 = arith.constant 0 : i32
        %dma_wait3A_289 = tpu.memref_slice %arg8[%dma_wait3A, %dma_wait3A_288] : memref<4x128xi32, #tpu.memory_space<vmem>> -> memref<1x128xi32, #tpu.memory_space<vmem>>
        %dma_wait3A_290 = tpu.memref_squeeze %dma_wait3A_289 : memref<1x128xi32, #tpu.memory_space<vmem>> -> memref<128xi32, #tpu.memory_space<vmem>>
        %dma_wait3A_291 = arith.constant 0 : i32
        %dma_wait3A_292 = tpu.memref_slice %arg3[%dma_wait3A_291] : memref<100000xi32, #tpu.memory_space<hbm>> -> memref<128xi32, #tpu.memory_space<hbm>>
        %dma_wait3A_293 = tpu.memref_slice %arg13[%dma_wait3A_287] : memref<4x!tpu.dma_semaphore, #tpu.memory_space<semaphore_mem>> -> memref<1x!tpu.dma_semaphore, #tpu.memory_space<semaphore_mem>>
        %dma_wait3A_294 = tpu.memref_squeeze %dma_wait3A_293 : memref<1x!tpu.dma_semaphore, #tpu.memory_space<semaphore_mem>> -> memref<!tpu.dma_semaphore, #tpu.memory_space<semaphore_mem>>
        %dma_wait3A_295 = arith.constant 0 : i32
        %dma_wait3A_296 = tpu.memref_slice %arg8[%dma_wait3A, %dma_wait3A_295] : memref<4x128xi32, #tpu.memory_space<vmem>> -> memref<1x128xi32, #tpu.memory_space<vmem>>
        %dma_wait3A_297 = tpu.memref_squeeze %dma_wait3A_296 : memref<1x128xi32, #tpu.memory_space<vmem>> -> memref<128xi32, #tpu.memory_space<vmem>>
        %dma_wait3A_298 = arith.constant 0 : i32
        %dma_wait3A_299 = tpu.memref_slice %arg3[%dma_wait3A_298] : memref<100000xi32, #tpu.memory_space<hbm>> -> memref<128xi32, #tpu.memory_space<hbm>>
        tpu.wait_dma2 semaphore(%dma_wait3A_294 : memref<!tpu.dma_semaphore, #tpu.memory_space<semaphore_mem>>) src(%dma_wait3A_299 : memref<128xi32, #tpu.memory_space<hbm>>) dst(%dma_wait3A_297 : memref<128xi32, #tpu.memory_space<vmem>>)
        %dma_wait3A_300 = arith.constant 2 : i32
        %dma_wait3A_301 = arith.constant 2 : i32
        %dma_wait3A_302 = arith.constant 0 : i32
        %dma_wait3A_303 = tpu.memref_slice %arg9[%dma_wait3A_300, %dma_wait3A_302] : memref<4x128xi32, #tpu.memory_space<vmem>> -> memref<1x128xi32, #tpu.memory_space<vmem>>
        %dma_wait3A_304 = tpu.memref_squeeze %dma_wait3A_303 : memref<1x128xi32, #tpu.memory_space<vmem>> -> memref<128xi32, #tpu.memory_space<vmem>>
        %dma_wait3A_305 = arith.constant 0 : i32
        %dma_wait3A_306 = tpu.memref_slice %arg4[%dma_wait3A_305] : memref<100000xi32, #tpu.memory_space<hbm>> -> memref<128xi32, #tpu.memory_space<hbm>>
        %dma_wait3A_307 = tpu.memref_slice %arg13[%dma_wait3A_301] : memref<4x!tpu.dma_semaphore, #tpu.memory_space<semaphore_mem>> -> memref<1x!tpu.dma_semaphore, #tpu.memory_space<semaphore_mem>>
        %dma_wait3A_308 = tpu.memref_squeeze %dma_wait3A_307 : memref<1x!tpu.dma_semaphore, #tpu.memory_space<semaphore_mem>> -> memref<!tpu.dma_semaphore, #tpu.memory_space<semaphore_mem>>
        %dma_wait3A_309 = arith.constant 0 : i32
        %dma_wait3A_310 = tpu.memref_slice %arg9[%dma_wait3A_300, %dma_wait3A_309] : memref<4x128xi32, #tpu.memory_space<vmem>> -> memref<1x128xi32, #tpu.memory_space<vmem>>
        %dma_wait3A_311 = tpu.memref_squeeze %dma_wait3A_310 : memref<1x128xi32, #tpu.memory_space<vmem>> -> memref<128xi32, #tpu.memory_space<vmem>>
        %dma_wait3A_312 = arith.constant 0 : i32
        %dma_wait3A_313 = tpu.memref_slice %arg4[%dma_wait3A_312] : memref<100000xi32, #tpu.memory_space<hbm>> -> memref<128xi32, #tpu.memory_space<hbm>>
        tpu.wait_dma2 semaphore(%dma_wait3A_308 : memref<!tpu.dma_semaphore, #tpu.memory_space<semaphore_mem>>) src(%dma_wait3A_313 : memref<128xi32, #tpu.memory_space<hbm>>) dst(%dma_wait3A_311 : memref<128xi32, #tpu.memory_space<vmem>>)
        %dma_wait3A_314 = arith.constant 2 : i32
        %dma_wait3A_315 = arith.constant 2 : i32
        %dma_wait3A_316 = arith.constant 0 : i32
        %dma_wait3A_317 = arith.constant 0 : i32
        %dma_wait3A_318 = tpu.memref_slice %arg10[%dma_wait3A_314, %dma_wait3A_316, %dma_wait3A_317] : memref<4x128x128xf32, #tpu.memory_space<vmem>> -> memref<1x128x128xf32, #tpu.memory_space<vmem>>
        %dma_wait3A_319 = tpu.memref_squeeze %dma_wait3A_318 : memref<1x128x128xf32, #tpu.memory_space<vmem>> -> memref<128x128xf32, #tpu.memory_space<vmem>>
        %dma_wait3A_320 = arith.constant 0 : i32
        %dma_wait3A_321 = arith.constant 0 : i32
        %dma_wait3A_322 = tpu.memref_slice %arg2[%dma_wait3A_320, %dma_wait3A_321] : memref<100000x128xf32, #tpu.memory_space<hbm>> -> memref<128x128xf32, #tpu.memory_space<hbm>>
        %dma_wait3A_323 = tpu.memref_slice %arg13[%dma_wait3A_315] : memref<4x!tpu.dma_semaphore, #tpu.memory_space<semaphore_mem>> -> memref<1x!tpu.dma_semaphore, #tpu.memory_space<semaphore_mem>>
        %dma_wait3A_324 = tpu.memref_squeeze %dma_wait3A_323 : memref<1x!tpu.dma_semaphore, #tpu.memory_space<semaphore_mem>> -> memref<!tpu.dma_semaphore, #tpu.memory_space<semaphore_mem>>
        %dma_wait3A_325 = arith.constant 0 : i32
        %dma_wait3A_326 = arith.constant 0 : i32
        %dma_wait3A_327 = tpu.memref_slice %arg10[%dma_wait3A_314, %dma_wait3A_325, %dma_wait3A_326] : memref<4x128x128xf32, #tpu.memory_space<vmem>> -> memref<1x128x128xf32, #tpu.memory_space<vmem>>
        %dma_wait3A_328 = tpu.memref_squeeze %dma_wait3A_327 : memref<1x128x128xf32, #tpu.memory_space<vmem>> -> memref<128x128xf32, #tpu.memory_space<vmem>>
        %dma_wait3A_329 = arith.constant 0 : i32
        %dma_wait3A_330 = arith.constant 0 : i32
        %dma_wait3A_331 = tpu.memref_slice %arg2[%dma_wait3A_329, %dma_wait3A_330] : memref<100000x128xf32, #tpu.memory_space<hbm>> -> memref<128x128xf32, #tpu.memory_space<hbm>>
        tpu.wait_dma2 semaphore(%dma_wait3A_324 : memref<!tpu.dma_semaphore, #tpu.memory_space<semaphore_mem>>) src(%dma_wait3A_331 : memref<128x128xf32, #tpu.memory_space<hbm>>) dst(%dma_wait3A_328 : memref<128x128xf32, #tpu.memory_space<vmem>>)
        %dma_start3A = arith.constant 2 : i32
        %dma_start3A_332 = arith.constant 2 : i32
        %dma_start3A_333 = arith.constant 2 : i32
        %dma_start3A_334 = arith.constant 0 : i32
        %dma_start3A_335 = arith.constant 0 : i32
        %dma_start3A_336 = tpu.memref_slice %arg10[%dma_start3A_332, %dma_start3A_334, %dma_start3A_335] : memref<4x128x128xf32, #tpu.memory_space<vmem>> -> memref<1x128x128xf32, #tpu.memory_space<vmem>>
        %dma_start3A_337 = tpu.memref_squeeze %dma_start3A_336 : memref<1x128x128xf32, #tpu.memory_space<vmem>> -> memref<128x128xf32, #tpu.memory_space<vmem>>
        %dma_start3A_338 = arith.constant 0 : i32
        %dma_start3A_339 = tpu.memref_slice %arg8[%dma_start3A, %dma_start3A_338] : memref<4x128xi32, #tpu.memory_space<vmem>> -> memref<1x128xi32, #tpu.memory_space<vmem>>
        %dma_start3A_340 = tpu.memref_squeeze %dma_start3A_339 : memref<1x128xi32, #tpu.memory_space<vmem>> -> memref<128xi32, #tpu.memory_space<vmem>>
        %dma_start3A_341 = arith.constant 0 : i32
        %dma_start3A_342 = arith.constant 0 : i32
        %dma_start3A_343 = tpu.memref_slice %arg11[%dma_start3A_341, %dma_start3A_342] : memref<512x128xf32, #tpu.memory_space<vmem_shared>> -> memref<512x128xf32, #tpu.memory_space<vmem_shared>>
        %dma_start3A_344 = tpu.memref_slice %arg14[%dma_start3A_333] : memref<4x!tpu.dma_semaphore, #tpu.memory_space<semaphore_mem>> -> memref<1x!tpu.dma_semaphore, #tpu.memory_space<semaphore_mem>>
        %dma_start3A_345 = tpu.memref_squeeze %dma_start3A_344 : memref<1x!tpu.dma_semaphore, #tpu.memory_space<semaphore_mem>> -> memref<!tpu.dma_semaphore, #tpu.memory_space<semaphore_mem>>
        tpu.enqueue_indirect_dma source(%dma_start3A_343 : memref<512x128xf32, #tpu.memory_space<vmem_shared>>) target(%dma_start3A_337 : memref<128x128xf32, #tpu.memory_space<vmem>>) offsets(%dma_start3A_340 : memref<128xi32, #tpu.memory_space<vmem>>) semaphore(%dma_start3A_345 : memref<!tpu.dma_semaphore, #tpu.memory_space<semaphore_mem>>) {add = true}
      } else {
      }
      %add3A_277 = arith.constant 3 : i32
      %add3A_278 = arith.addi %mul3A_67, %add3A_277 : i32
      %mul3A_279 = arith.constant 32 : i32
      %mul3A_280 = arith.muli %add3A_278, %mul3A_279 : i32
      %add3A_281 = arith.addi %add3A, %mul3A_280 : i32
      %lt3A_282 = arith.constant 782 : i32
      %lt3A_283 = arith.cmpi slt, %add3A_281, %lt3A_282 : i32
      %convert_element_type3A_284 = arith.extui %lt3A_283 : i1 to i32
      %cond3A_285 = arith.constant 0 : i32
      %cond3A_286 = arith.cmpi ne, %convert_element_type3A_284, %cond3A_285 : i32
      scf.if %cond3A_286 {
        %ge3A_287 = arith.constant 4 : i32
        %ge3A_288 = arith.cmpi sge, %add3A_278, %ge3A_287 : i32
        %convert_element_type3A_289 = arith.extui %ge3A_288 : i1 to i32
        %cond3A_290 = arith.constant 0 : i32
        %cond3A_291 = arith.cmpi ne, %convert_element_type3A_289, %cond3A_290 : i32
        scf.if %cond3A_291 {
          %dma_wait3A = arith.constant 3 : i32
          %dma_wait3A_334 = arith.constant 3 : i32
          %dma_wait3A_335 = arith.constant 0 : i32
          %dma_wait3A_336 = arith.constant 0 : i32
          %dma_wait3A_337 = tpu.memref_slice %arg10[%dma_wait3A, %dma_wait3A_335, %dma_wait3A_336] : memref<4x128x128xf32, #tpu.memory_space<vmem>> -> memref<1x128x128xf32, #tpu.memory_space<vmem>>
          %dma_wait3A_338 = tpu.memref_squeeze %dma_wait3A_337 : memref<1x128x128xf32, #tpu.memory_space<vmem>> -> memref<128x128xf32, #tpu.memory_space<vmem>>
          %dma_wait3A_339 = arith.constant 0 : i32
          %dma_wait3A_340 = arith.constant 0 : i32
          %dma_wait3A_341 = tpu.memref_slice %arg7[%dma_wait3A_339, %dma_wait3A_340] : memref<100000x128xf32, #tpu.memory_space<hbm>> -> memref<128x128xf32, #tpu.memory_space<hbm>>
          %dma_wait3A_342 = tpu.memref_slice %arg15[%dma_wait3A_334] : memref<4x!tpu.dma_semaphore, #tpu.memory_space<semaphore_mem>> -> memref<1x!tpu.dma_semaphore, #tpu.memory_space<semaphore_mem>>
          %dma_wait3A_343 = tpu.memref_squeeze %dma_wait3A_342 : memref<1x!tpu.dma_semaphore, #tpu.memory_space<semaphore_mem>> -> memref<!tpu.dma_semaphore, #tpu.memory_space<semaphore_mem>>
          %dma_wait3A_344 = arith.constant 0 : i32
          %dma_wait3A_345 = arith.constant 0 : i32
          %dma_wait3A_346 = tpu.memref_slice %arg7[%dma_wait3A_344, %dma_wait3A_345] : memref<100000x128xf32, #tpu.memory_space<hbm>> -> memref<128x128xf32, #tpu.memory_space<hbm>>
          %dma_wait3A_347 = arith.constant 0 : i32
          %dma_wait3A_348 = arith.constant 0 : i32
          %dma_wait3A_349 = tpu.memref_slice %arg10[%dma_wait3A, %dma_wait3A_347, %dma_wait3A_348] : memref<4x128x128xf32, #tpu.memory_space<vmem>> -> memref<1x128x128xf32, #tpu.memory_space<vmem>>
          %dma_wait3A_350 = tpu.memref_squeeze %dma_wait3A_349 : memref<1x128x128xf32, #tpu.memory_space<vmem>> -> memref<128x128xf32, #tpu.memory_space<vmem>>
          tpu.wait_dma2 semaphore(%dma_wait3A_343 : memref<!tpu.dma_semaphore, #tpu.memory_space<semaphore_mem>>) src(%dma_wait3A_350 : memref<128x128xf32, #tpu.memory_space<vmem>>) dst(%dma_wait3A_346 : memref<128x128xf32, #tpu.memory_space<hbm>>)
        } else {
        }
        %mul3A_292 = arith.constant 128 : i32
        %mul3A_293 = arith.muli %add3A_281, %mul3A_292 : i32
        %min3A = arith.constant 99872 : i32
        %min3A_294 = arith.minsi %mul3A_293, %min3A : i32
        %dma_start3A = arith.constant 3 : i32
        %dma_start3A_295 = arith.constant 3 : i32
        %dma_start3A_296 = arith.constant 0 : i32
        %dma_start3A_297 = tpu.memref_slice %arg8[%dma_start3A, %dma_start3A_296] : memref<4x128xi32, #tpu.memory_space<vmem>> -> memref<1x128xi32, #tpu.memory_space<vmem>>
        %dma_start3A_298 = tpu.memref_squeeze %dma_start3A_297 : memref<1x128xi32, #tpu.memory_space<vmem>> -> memref<128xi32, #tpu.memory_space<vmem>>
        %dma_start3A_299 = tpu.memref_slice %arg3[%min3A_294] : memref<100000xi32, #tpu.memory_space<hbm>> -> memref<128xi32, #tpu.memory_space<hbm>>
        %dma_start3A_300 = tpu.memref_slice %arg13[%dma_start3A_295] : memref<4x!tpu.dma_semaphore, #tpu.memory_space<semaphore_mem>> -> memref<1x!tpu.dma_semaphore, #tpu.memory_space<semaphore_mem>>
        %dma_start3A_301 = tpu.memref_squeeze %dma_start3A_300 : memref<1x!tpu.dma_semaphore, #tpu.memory_space<semaphore_mem>> -> memref<!tpu.dma_semaphore, #tpu.memory_space<semaphore_mem>>
        %dma_start3A_302 = arith.constant 0 : i32
        %dma_start3A_303 = tpu.memref_slice %arg8[%dma_start3A, %dma_start3A_302] : memref<4x128xi32, #tpu.memory_space<vmem>> -> memref<1x128xi32, #tpu.memory_space<vmem>>
        %dma_start3A_304 = tpu.memref_squeeze %dma_start3A_303 : memref<1x128xi32, #tpu.memory_space<vmem>> -> memref<128xi32, #tpu.memory_space<vmem>>
        %dma_start3A_305 = tpu.memref_slice %arg3[%min3A_294] : memref<100000xi32, #tpu.memory_space<hbm>> -> memref<128xi32, #tpu.memory_space<hbm>>
        tpu.enqueue_dma source(%dma_start3A_305 : memref<128xi32, #tpu.memory_space<hbm>>) target(%dma_start3A_304 : memref<128xi32, #tpu.memory_space<vmem>>) target_semaphore(%dma_start3A_301 : memref<!tpu.dma_semaphore, #tpu.memory_space<semaphore_mem>>)
        %dma_start3A_306 = arith.constant 3 : i32
        %dma_start3A_307 = arith.constant 3 : i32
        %dma_start3A_308 = arith.constant 0 : i32
        %dma_start3A_309 = tpu.memref_slice %arg9[%dma_start3A_306, %dma_start3A_308] : memref<4x128xi32, #tpu.memory_space<vmem>> -> memref<1x128xi32, #tpu.memory_space<vmem>>
        %dma_start3A_310 = tpu.memref_squeeze %dma_start3A_309 : memref<1x128xi32, #tpu.memory_space<vmem>> -> memref<128xi32, #tpu.memory_space<vmem>>
        %dma_start3A_311 = tpu.memref_slice %arg4[%min3A_294] : memref<100000xi32, #tpu.memory_space<hbm>> -> memref<128xi32, #tpu.memory_space<hbm>>
        %dma_start3A_312 = tpu.memref_slice %arg13[%dma_start3A_307] : memref<4x!tpu.dma_semaphore, #tpu.memory_space<semaphore_mem>> -> memref<1x!tpu.dma_semaphore, #tpu.memory_space<semaphore_mem>>
        %dma_start3A_313 = tpu.memref_squeeze %dma_start3A_312 : memref<1x!tpu.dma_semaphore, #tpu.memory_space<semaphore_mem>> -> memref<!tpu.dma_semaphore, #tpu.memory_space<semaphore_mem>>
        %dma_start3A_314 = arith.constant 0 : i32
        %dma_start3A_315 = tpu.memref_slice %arg9[%dma_start3A_306, %dma_start3A_314] : memref<4x128xi32, #tpu.memory_space<vmem>> -> memref<1x128xi32, #tpu.memory_space<vmem>>
        %dma_start3A_316 = tpu.memref_squeeze %dma_start3A_315 : memref<1x128xi32, #tpu.memory_space<vmem>> -> memref<128xi32, #tpu.memory_space<vmem>>
        %dma_start3A_317 = tpu.memref_slice %arg4[%min3A_294] : memref<100000xi32, #tpu.memory_space<hbm>> -> memref<128xi32, #tpu.memory_space<hbm>>
        tpu.enqueue_dma source(%dma_start3A_317 : memref<128xi32, #tpu.memory_space<hbm>>) target(%dma_start3A_316 : memref<128xi32, #tpu.memory_space<vmem>>) target_semaphore(%dma_start3A_313 : memref<!tpu.dma_semaphore, #tpu.memory_space<semaphore_mem>>)
        %dma_start3A_318 = arith.constant 3 : i32
        %dma_start3A_319 = arith.constant 3 : i32
        %dma_start3A_320 = arith.constant 0 : i32
        %dma_start3A_321 = arith.constant 0 : i32
        %dma_start3A_322 = tpu.memref_slice %arg10[%dma_start3A_318, %dma_start3A_320, %dma_start3A_321] : memref<4x128x128xf32, #tpu.memory_space<vmem>> -> memref<1x128x128xf32, #tpu.memory_space<vmem>>
        %dma_start3A_323 = tpu.memref_squeeze %dma_start3A_322 : memref<1x128x128xf32, #tpu.memory_space<vmem>> -> memref<128x128xf32, #tpu.memory_space<vmem>>
        %dma_start3A_324 = arith.constant 0 : i32
        %dma_start3A_325 = tpu.memref_slice %arg2[%min3A_294, %dma_start3A_324] : memref<100000x128xf32, #tpu.memory_space<hbm>> -> memref<128x128xf32, #tpu.memory_space<hbm>>
        %dma_start3A_326 = tpu.memref_slice %arg13[%dma_start3A_319] : memref<4x!tpu.dma_semaphore, #tpu.memory_space<semaphore_mem>> -> memref<1x!tpu.dma_semaphore, #tpu.memory_space<semaphore_mem>>
        %dma_start3A_327 = tpu.memref_squeeze %dma_start3A_326 : memref<1x!tpu.dma_semaphore, #tpu.memory_space<semaphore_mem>> -> memref<!tpu.dma_semaphore, #tpu.memory_space<semaphore_mem>>
        %dma_start3A_328 = arith.constant 0 : i32
        %dma_start3A_329 = arith.constant 0 : i32
        %dma_start3A_330 = tpu.memref_slice %arg10[%dma_start3A_318, %dma_start3A_328, %dma_start3A_329] : memref<4x128x128xf32, #tpu.memory_space<vmem>> -> memref<1x128x128xf32, #tpu.memory_space<vmem>>
        %dma_start3A_331 = tpu.memref_squeeze %dma_start3A_330 : memref<1x128x128xf32, #tpu.memory_space<vmem>> -> memref<128x128xf32, #tpu.memory_space<vmem>>
        %dma_start3A_332 = arith.constant 0 : i32
        %dma_start3A_333 = tpu.memref_slice %arg2[%min3A_294, %dma_start3A_332] : memref<100000x128xf32, #tpu.memory_space<hbm>> -> memref<128x128xf32, #tpu.memory_space<hbm>>
        tpu.enqueue_dma source(%dma_start3A_333 : memref<128x128xf32, #tpu.memory_space<hbm>>) target(%dma_start3A_331 : memref<128x128xf32, #tpu.memory_space<vmem>>) target_semaphore(%dma_start3A_327 : memref<!tpu.dma_semaphore, #tpu.memory_space<semaphore_mem>>)
      } else {
      }
    }
    %scan3A_7 = arith.constant 7 : i32
    %add3A_8 = arith.constant 640 : i32
    %add3A_9 = arith.addi %add3A, %add3A_8 : i32
    %lt3A = arith.constant 782 : i32
    %lt3A_10 = arith.cmpi slt, %add3A_9, %lt3A : i32
    %add3A_11 = arith.constant 768 : i32
    %add3A_12 = arith.addi %add3A, %add3A_11 : i32
    %ge3A = arith.constant 782 : i32
    %ge3A_13 = arith.cmpi sge, %add3A_12, %ge3A : i32
    %and3A = arith.andi %lt3A_10, %ge3A_13 : i1
    %convert_element_type3A_14 = arith.extui %and3A : i1 to i32
    %cond3A_15 = arith.constant 0 : i32
    %cond3A_16 = arith.cmpi ne, %convert_element_type3A_14, %cond3A_15 : i32
    scf.if %cond3A_16 {
      %dma_wait3A = arith.constant 0 : i32
      %dma_wait3A_65 = arith.constant 0 : i32
      %dma_wait3A_66 = arith.constant 0 : i32
      %dma_wait3A_67 = arith.constant 0 : i32
      %dma_wait3A_68 = tpu.memref_slice %arg10[%dma_wait3A, %dma_wait3A_66, %dma_wait3A_67] : memref<4x128x128xf32, #tpu.memory_space<vmem>> -> memref<1x128x128xf32, #tpu.memory_space<vmem>>
      %dma_wait3A_69 = tpu.memref_squeeze %dma_wait3A_68 : memref<1x128x128xf32, #tpu.memory_space<vmem>> -> memref<128x128xf32, #tpu.memory_space<vmem>>
      %dma_wait3A_70 = arith.constant 0 : i32
      %dma_wait3A_71 = arith.constant 0 : i32
      %dma_wait3A_72 = tpu.memref_slice %arg7[%dma_wait3A_70, %dma_wait3A_71] : memref<100000x128xf32, #tpu.memory_space<hbm>> -> memref<128x128xf32, #tpu.memory_space<hbm>>
      %dma_wait3A_73 = tpu.memref_slice %arg15[%dma_wait3A_65] : memref<4x!tpu.dma_semaphore, #tpu.memory_space<semaphore_mem>> -> memref<1x!tpu.dma_semaphore, #tpu.memory_space<semaphore_mem>>
      %dma_wait3A_74 = tpu.memref_squeeze %dma_wait3A_73 : memref<1x!tpu.dma_semaphore, #tpu.memory_space<semaphore_mem>> -> memref<!tpu.dma_semaphore, #tpu.memory_space<semaphore_mem>>
      %dma_wait3A_75 = arith.constant 0 : i32
      %dma_wait3A_76 = arith.constant 0 : i32
      %dma_wait3A_77 = tpu.memref_slice %arg7[%dma_wait3A_75, %dma_wait3A_76] : memref<100000x128xf32, #tpu.memory_space<hbm>> -> memref<128x128xf32, #tpu.memory_space<hbm>>
      %dma_wait3A_78 = arith.constant 0 : i32
      %dma_wait3A_79 = arith.constant 0 : i32
      %dma_wait3A_80 = tpu.memref_slice %arg10[%dma_wait3A, %dma_wait3A_78, %dma_wait3A_79] : memref<4x128x128xf32, #tpu.memory_space<vmem>> -> memref<1x128x128xf32, #tpu.memory_space<vmem>>
      %dma_wait3A_81 = tpu.memref_squeeze %dma_wait3A_80 : memref<1x128x128xf32, #tpu.memory_space<vmem>> -> memref<128x128xf32, #tpu.memory_space<vmem>>
      tpu.wait_dma2 semaphore(%dma_wait3A_74 : memref<!tpu.dma_semaphore, #tpu.memory_space<semaphore_mem>>) src(%dma_wait3A_81 : memref<128x128xf32, #tpu.memory_space<vmem>>) dst(%dma_wait3A_77 : memref<128x128xf32, #tpu.memory_space<hbm>>)
    } else {
    }
    %add3A_17 = arith.constant 672 : i32
    %add3A_18 = arith.addi %add3A, %add3A_17 : i32
    %lt3A_19 = arith.constant 782 : i32
    %lt3A_20 = arith.cmpi slt, %add3A_18, %lt3A_19 : i32
    %add3A_21 = arith.constant 800 : i32
    %add3A_22 = arith.addi %add3A, %add3A_21 : i32
    %ge3A_23 = arith.constant 782 : i32
    %ge3A_24 = arith.cmpi sge, %add3A_22, %ge3A_23 : i32
    %and3A_25 = arith.andi %lt3A_20, %ge3A_24 : i1
    %convert_element_type3A_26 = arith.extui %and3A_25 : i1 to i32
    %cond3A_27 = arith.constant 0 : i32
    %cond3A_28 = arith.cmpi ne, %convert_element_type3A_26, %cond3A_27 : i32
    scf.if %cond3A_28 {
      %dma_wait3A = arith.constant 1 : i32
      %dma_wait3A_65 = arith.constant 1 : i32
      %dma_wait3A_66 = arith.constant 0 : i32
      %dma_wait3A_67 = arith.constant 0 : i32
      %dma_wait3A_68 = tpu.memref_slice %arg10[%dma_wait3A, %dma_wait3A_66, %dma_wait3A_67] : memref<4x128x128xf32, #tpu.memory_space<vmem>> -> memref<1x128x128xf32, #tpu.memory_space<vmem>>
      %dma_wait3A_69 = tpu.memref_squeeze %dma_wait3A_68 : memref<1x128x128xf32, #tpu.memory_space<vmem>> -> memref<128x128xf32, #tpu.memory_space<vmem>>
      %dma_wait3A_70 = arith.constant 0 : i32
      %dma_wait3A_71 = arith.constant 0 : i32
      %dma_wait3A_72 = tpu.memref_slice %arg7[%dma_wait3A_70, %dma_wait3A_71] : memref<100000x128xf32, #tpu.memory_space<hbm>> -> memref<128x128xf32, #tpu.memory_space<hbm>>
      %dma_wait3A_73 = tpu.memref_slice %arg15[%dma_wait3A_65] : memref<4x!tpu.dma_semaphore, #tpu.memory_space<semaphore_mem>> -> memref<1x!tpu.dma_semaphore, #tpu.memory_space<semaphore_mem>>
      %dma_wait3A_74 = tpu.memref_squeeze %dma_wait3A_73 : memref<1x!tpu.dma_semaphore, #tpu.memory_space<semaphore_mem>> -> memref<!tpu.dma_semaphore, #tpu.memory_space<semaphore_mem>>
      %dma_wait3A_75 = arith.constant 0 : i32
      %dma_wait3A_76 = arith.constant 0 : i32
      %dma_wait3A_77 = tpu.memref_slice %arg7[%dma_wait3A_75, %dma_wait3A_76] : memref<100000x128xf32, #tpu.memory_space<hbm>> -> memref<128x128xf32, #tpu.memory_space<hbm>>
      %dma_wait3A_78 = arith.constant 0 : i32
      %dma_wait3A_79 = arith.constant 0 : i32
      %dma_wait3A_80 = tpu.memref_slice %arg10[%dma_wait3A, %dma_wait3A_78, %dma_wait3A_79] : memref<4x128x128xf32, #tpu.memory_space<vmem>> -> memref<1x128x128xf32, #tpu.memory_space<vmem>>
      %dma_wait3A_81 = tpu.memref_squeeze %dma_wait3A_80 : memref<1x128x128xf32, #tpu.memory_space<vmem>> -> memref<128x128xf32, #tpu.memory_space<vmem>>
      tpu.wait_dma2 semaphore(%dma_wait3A_74 : memref<!tpu.dma_semaphore, #tpu.memory_space<semaphore_mem>>) src(%dma_wait3A_81 : memref<128x128xf32, #tpu.memory_space<vmem>>) dst(%dma_wait3A_77 : memref<128x128xf32, #tpu.memory_space<hbm>>)
    } else {
    }
    %add3A_29 = arith.constant 704 : i32
    %add3A_30 = arith.addi %add3A, %add3A_29 : i32
    %lt3A_31 = arith.constant 782 : i32
    %lt3A_32 = arith.cmpi slt, %add3A_30, %lt3A_31 : i32
    %add3A_33 = arith.constant 832 : i32
    %add3A_34 = arith.addi %add3A, %add3A_33 : i32
    %ge3A_35 = arith.constant 782 : i32
    %ge3A_36 = arith.cmpi sge, %add3A_34, %ge3A_35 : i32
    %and3A_37 = arith.andi %lt3A_32, %ge3A_36 : i1
    %convert_element_type3A_38 = arith.extui %and3A_37 : i1 to i32
    %cond3A_39 = arith.constant 0 : i32
    %cond3A_40 = arith.cmpi ne, %convert_element_type3A_38, %cond3A_39 : i32
    scf.if %cond3A_40 {
      %dma_wait3A = arith.constant 2 : i32
      %dma_wait3A_65 = arith.constant 2 : i32
      %dma_wait3A_66 = arith.constant 0 : i32
      %dma_wait3A_67 = arith.constant 0 : i32
      %dma_wait3A_68 = tpu.memref_slice %arg10[%dma_wait3A, %dma_wait3A_66, %dma_wait3A_67] : memref<4x128x128xf32, #tpu.memory_space<vmem>> -> memref<1x128x128xf32, #tpu.memory_space<vmem>>
      %dma_wait3A_69 = tpu.memref_squeeze %dma_wait3A_68 : memref<1x128x128xf32, #tpu.memory_space<vmem>> -> memref<128x128xf32, #tpu.memory_space<vmem>>
      %dma_wait3A_70 = arith.constant 0 : i32
      %dma_wait3A_71 = arith.constant 0 : i32
      %dma_wait3A_72 = tpu.memref_slice %arg7[%dma_wait3A_70, %dma_wait3A_71] : memref<100000x128xf32, #tpu.memory_space<hbm>> -> memref<128x128xf32, #tpu.memory_space<hbm>>
      %dma_wait3A_73 = tpu.memref_slice %arg15[%dma_wait3A_65] : memref<4x!tpu.dma_semaphore, #tpu.memory_space<semaphore_mem>> -> memref<1x!tpu.dma_semaphore, #tpu.memory_space<semaphore_mem>>
      %dma_wait3A_74 = tpu.memref_squeeze %dma_wait3A_73 : memref<1x!tpu.dma_semaphore, #tpu.memory_space<semaphore_mem>> -> memref<!tpu.dma_semaphore, #tpu.memory_space<semaphore_mem>>
      %dma_wait3A_75 = arith.constant 0 : i32
      %dma_wait3A_76 = arith.constant 0 : i32
      %dma_wait3A_77 = tpu.memref_slice %arg7[%dma_wait3A_75, %dma_wait3A_76] : memref<100000x128xf32, #tpu.memory_space<hbm>> -> memref<128x128xf32, #tpu.memory_space<hbm>>
      %dma_wait3A_78 = arith.constant 0 : i32
      %dma_wait3A_79 = arith.constant 0 : i32
      %dma_wait3A_80 = tpu.memref_slice %arg10[%dma_wait3A, %dma_wait3A_78, %dma_wait3A_79] : memref<4x128x128xf32, #tpu.memory_space<vmem>> -> memref<1x128x128xf32, #tpu.memory_space<vmem>>
      %dma_wait3A_81 = tpu.memref_squeeze %dma_wait3A_80 : memref<1x128x128xf32, #tpu.memory_space<vmem>> -> memref<128x128xf32, #tpu.memory_space<vmem>>
      tpu.wait_dma2 semaphore(%dma_wait3A_74 : memref<!tpu.dma_semaphore, #tpu.memory_space<semaphore_mem>>) src(%dma_wait3A_81 : memref<128x128xf32, #tpu.memory_space<vmem>>) dst(%dma_wait3A_77 : memref<128x128xf32, #tpu.memory_space<hbm>>)
    } else {
    }
    %add3A_41 = arith.constant 736 : i32
    %add3A_42 = arith.addi %add3A, %add3A_41 : i32
    %lt3A_43 = arith.constant 782 : i32
    %lt3A_44 = arith.cmpi slt, %add3A_42, %lt3A_43 : i32
    %add3A_45 = arith.constant 864 : i32
    %add3A_46 = arith.addi %add3A, %add3A_45 : i32
    %ge3A_47 = arith.constant 782 : i32
    %ge3A_48 = arith.cmpi sge, %add3A_46, %ge3A_47 : i32
    %and3A_49 = arith.andi %lt3A_44, %ge3A_48 : i1
    %convert_element_type3A_50 = arith.extui %and3A_49 : i1 to i32
    %cond3A_51 = arith.constant 0 : i32
    %cond3A_52 = arith.cmpi ne, %convert_element_type3A_50, %cond3A_51 : i32
    scf.if %cond3A_52 {
      %dma_wait3A = arith.constant 3 : i32
      %dma_wait3A_65 = arith.constant 3 : i32
      %dma_wait3A_66 = arith.constant 0 : i32
      %dma_wait3A_67 = arith.constant 0 : i32
      %dma_wait3A_68 = tpu.memref_slice %arg10[%dma_wait3A, %dma_wait3A_66, %dma_wait3A_67] : memref<4x128x128xf32, #tpu.memory_space<vmem>> -> memref<1x128x128xf32, #tpu.memory_space<vmem>>
      %dma_wait3A_69 = tpu.memref_squeeze %dma_wait3A_68 : memref<1x128x128xf32, #tpu.memory_space<vmem>> -> memref<128x128xf32, #tpu.memory_space<vmem>>
      %dma_wait3A_70 = arith.constant 0 : i32
      %dma_wait3A_71 = arith.constant 0 : i32
      %dma_wait3A_72 = tpu.memref_slice %arg7[%dma_wait3A_70, %dma_wait3A_71] : memref<100000x128xf32, #tpu.memory_space<hbm>> -> memref<128x128xf32, #tpu.memory_space<hbm>>
      %dma_wait3A_73 = tpu.memref_slice %arg15[%dma_wait3A_65] : memref<4x!tpu.dma_semaphore, #tpu.memory_space<semaphore_mem>> -> memref<1x!tpu.dma_semaphore, #tpu.memory_space<semaphore_mem>>
      %dma_wait3A_74 = tpu.memref_squeeze %dma_wait3A_73 : memref<1x!tpu.dma_semaphore, #tpu.memory_space<semaphore_mem>> -> memref<!tpu.dma_semaphore, #tpu.memory_space<semaphore_mem>>
      %dma_wait3A_75 = arith.constant 0 : i32
      %dma_wait3A_76 = arith.constant 0 : i32
      %dma_wait3A_77 = tpu.memref_slice %arg7[%dma_wait3A_75, %dma_wait3A_76] : memref<100000x128xf32, #tpu.memory_space<hbm>> -> memref<128x128xf32, #tpu.memory_space<hbm>>
      %dma_wait3A_78 = arith.constant 0 : i32
      %dma_wait3A_79 = arith.constant 0 : i32
      %dma_wait3A_80 = tpu.memref_slice %arg10[%dma_wait3A, %dma_wait3A_78, %dma_wait3A_79] : memref<4x128x128xf32, #tpu.memory_space<vmem>> -> memref<1x128x128xf32, #tpu.memory_space<vmem>>
      %dma_wait3A_81 = tpu.memref_squeeze %dma_wait3A_80 : memref<1x128x128xf32, #tpu.memory_space<vmem>> -> memref<128x128xf32, #tpu.memory_space<vmem>>
      tpu.wait_dma2 semaphore(%dma_wait3A_74 : memref<!tpu.dma_semaphore, #tpu.memory_space<semaphore_mem>>) src(%dma_wait3A_81 : memref<128x128xf32, #tpu.memory_space<vmem>>) dst(%dma_wait3A_77 : memref<128x128xf32, #tpu.memory_space<hbm>>)
    } else {
    }
    %add3A_53 = arith.constant 768 : i32
    %add3A_54 = arith.addi %add3A, %add3A_53 : i32
    %lt3A_55 = arith.constant 782 : i32
    %lt3A_56 = arith.cmpi slt, %add3A_54, %lt3A_55 : i32
    %add3A_57 = arith.constant 896 : i32
    %add3A_58 = arith.addi %add3A, %add3A_57 : i32
    %ge3A_59 = arith.constant 782 : i32
    %ge3A_60 = arith.cmpi sge, %add3A_58, %ge3A_59 : i32
    %and3A_61 = arith.andi %lt3A_56, %ge3A_60 : i1
    %convert_element_type3A_62 = arith.extui %and3A_61 : i1 to i32
    %cond3A_63 = arith.constant 0 : i32
    %cond3A_64 = arith.cmpi ne, %convert_element_type3A_62, %cond3A_63 : i32
    scf.if %cond3A_64 {
      %dma_wait3A = arith.constant 0 : i32
      %dma_wait3A_65 = arith.constant 0 : i32
      %dma_wait3A_66 = arith.constant 0 : i32
      %dma_wait3A_67 = arith.constant 0 : i32
      %dma_wait3A_68 = tpu.memref_slice %arg10[%dma_wait3A, %dma_wait3A_66, %dma_wait3A_67] : memref<4x128x128xf32, #tpu.memory_space<vmem>> -> memref<1x128x128xf32, #tpu.memory_space<vmem>>
      %dma_wait3A_69 = tpu.memref_squeeze %dma_wait3A_68 : memref<1x128x128xf32, #tpu.memory_space<vmem>> -> memref<128x128xf32, #tpu.memory_space<vmem>>
      %dma_wait3A_70 = arith.constant 0 : i32
      %dma_wait3A_71 = arith.constant 0 : i32
      %dma_wait3A_72 = tpu.memref_slice %arg7[%dma_wait3A_70, %dma_wait3A_71] : memref<100000x128xf32, #tpu.memory_space<hbm>> -> memref<128x128xf32, #tpu.memory_space<hbm>>
      %dma_wait3A_73 = tpu.memref_slice %arg15[%dma_wait3A_65] : memref<4x!tpu.dma_semaphore, #tpu.memory_space<semaphore_mem>> -> memref<1x!tpu.dma_semaphore, #tpu.memory_space<semaphore_mem>>
      %dma_wait3A_74 = tpu.memref_squeeze %dma_wait3A_73 : memref<1x!tpu.dma_semaphore, #tpu.memory_space<semaphore_mem>> -> memref<!tpu.dma_semaphore, #tpu.memory_space<semaphore_mem>>
      %dma_wait3A_75 = arith.constant 0 : i32
      %dma_wait3A_76 = arith.constant 0 : i32
      %dma_wait3A_77 = tpu.memref_slice %arg7[%dma_wait3A_75, %dma_wait3A_76] : memref<100000x128xf32, #tpu.memory_space<hbm>> -> memref<128x128xf32, #tpu.memory_space<hbm>>
      %dma_wait3A_78 = arith.constant 0 : i32
      %dma_wait3A_79 = arith.constant 0 : i32
      %dma_wait3A_80 = tpu.memref_slice %arg10[%dma_wait3A, %dma_wait3A_78, %dma_wait3A_79] : memref<4x128x128xf32, #tpu.memory_space<vmem>> -> memref<1x128x128xf32, #tpu.memory_space<vmem>>
      %dma_wait3A_81 = tpu.memref_squeeze %dma_wait3A_80 : memref<1x128x128xf32, #tpu.memory_space<vmem>> -> memref<128x128xf32, #tpu.memory_space<vmem>>
      tpu.wait_dma2 semaphore(%dma_wait3A_74 : memref<!tpu.dma_semaphore, #tpu.memory_space<semaphore_mem>>) src(%dma_wait3A_81 : memref<128x128xf32, #tpu.memory_space<vmem>>) dst(%dma_wait3A_77 : memref<128x128xf32, #tpu.memory_space<hbm>>)
    } else {
    }
    return
  }
}

</mosaic_0001>

<sc_bundles>
// kernel: _run.3.cloned.1.call-start
scs
__scs_entry_jumppad:
0x0: {  	(pc) =	sbr.rel $0x88, $3  }
0x1: {  	(tag) =	ssettag $0x0;
	lr =	simm.s32 $0x1  }
0x2: {  	[smem:$0x3F9C] =	sst lr;
	_ =	strace $0xD0000000  }
0x3: {  	_ = 	snop  }
0x4: {  	_ = 	snop  }
0x5: {  	_ = 	snop  }
0x6: {  	_ = 	snop  }
0x7: {  	_ = 	snop  }
__scs_overlays_trampoline_lowered:
0x8: {  	[smem:$0x3FAB] =	sst s0  }
0x9: {  	[smem:$0x3FAC] =	sst s1  }
0xa: {  	[smem:$0x3FAD] =	sst s2  }
0xb: {  	[smem:$0x3FAE] =	sst s3  }
0xc: {  	[smem:$0x3FAF] =	sst s4  }
0xd: {  	[smem:$0x3FB0] =	sst s5  }
0xe: {  	[smem:$0x3FB1] =	sst s6  }
0xf: {  	[smem:$0x3FB2] =	sst s7  }
0x10: {  	[smem:$0x3FB3] =	sst s8  }
0x11: {  	[smem:$0x3FB4] =	sst s9;
	s0 =	simm.s32 @!p0 $0x0  }
0x12: {  	s1 =	sld [smem:$0x3F9A];
	s0 =	simm.s32 @p0 $0x1  }
0x13: {  	[smem:$0x3FB5] =	sst s0;
	s0 =	simm.s32 @!p1 $0x0  }
0x14: {  	s2 =	sld [smem:$0x3F99];
	s0 =	simm.s32 @p1 $0x1  }
0x15: {  	[smem:$0x3FB6] =	sst s0;
	s0 =	simm.s32 @!p2 $0x0  }
0x16: {  	s3 =	sld [smem:$0x3FDB];
	s0 =	simm.s32 @p2 $0x1  }
0x17: {  	s4 =	simm.s32 $0x1BF5;
	[smem:$0x3FB8] =	sst s0  }
0x18: {  	s0 =	sld [smem:$0x3F9B];
	_ =	swait.ge [sflag:s4], $0x0  }
0x19: {  	s7 =	sld [smem:$0x3F9C]  }
0x1a: {  	s8 =	sadd.s32 $0xFFFFE003, lr  }
0x1b: {  	s9 =	sadd.s32 $0xFFFFFEF7, lr;
	s5 =	simm.s32 $0xFFFFFFFF;
	p2 =	slt.u32 s8, $0xFFFFF086  }
0x1c: {  	p1 =	slt.u32 s9, $0xF7A;
	s5 =	simm.s32 @!p2 $0x0  }
0x1d: {  	s5 =	simm.s32 @p1 $0x1;
	p0 =	seq.s32 s7, s2  }
0x1e: {  	s7 =	smul.u32 @!p0 $0xF7A, s2;
	p2 =	seq.s32 @!p0 s5, $0x0  }
0x1f: {  	s9 =	smul.u32 $0xF7A, s1;
	s8 =	simm.s32 @!p0 $0x1BF5;
	p2 =	por !p2, p0  }
0x20: {  	[sflag:s8] =	ssyncset.s32 @!p0 $0xFFFFF086;
	s6 =	sadd.s32 @!p0 s3, s7;
	s7 =	simm.s32 @!p0 $0x108  }
0x21: {  	s3 =	sadd.s32 s3, s9;
	s6 =	sadd.s32 @!p0 $0x88, s6;
	s7 =	simm.s32 @p2 $0x1082  }
0x22: {  	[simem:s7], [sflag:s8] =	dma.local @!p0 [hbm:s6], $0xF7A  }
0x23: {  	s9 =	sor.u32 $0xD0000000, s2;
	s6 =	simm.s32 $0x108;
	_ =	swait.ge @!p0 [sflag:s8], $0x0  }
0x24: {  	s3 =	sadd.s32 $0x88, s3;
	s6 =	simm.s32 @!p1 $0x1082;
	[sflag:s4] =	ssyncset.s32 $0xFFFFF086  }
0x25: {  	[simem:s6], [sflag:s4] =	dma.local [hbm:s3], $0xF7A  }
0x26: {  	[smem:$0x3F9C] =	sst s1;
	(tag) =	ssettag s2;
	_ =	strace s9  }
0x27: {  	s1 =	sld [smem:$0x3FAC]  }
0x28: {  	s2 =	sld [smem:$0x3FAD]  }
0x29: {  	s4 =	sld [smem:$0x3FAF]  }
0x2a: {  	p0 =	seq.s32 s5, $0x0;
	s5 =	sld [smem:$0x3FB0]  }
0x2b: {  	s6 =	sld [smem:$0x3FB1]  }
0x2c: {  	s7 =	sld [smem:$0x3FB2]  }
0x2d: {  	s3 =	simm.s32 $0x108;
	s8 =	sld [smem:$0x3FB3]  }
0x2e: {  	s3 =	simm.s32 @!p0 $0x1082;
	s9 =	sld [smem:$0x3FB4]  }
0x2f: {  	lr =	sadd.s32 s0, s3;
	s0 =	sld [smem:$0x3FAB]  }
0x30: {  	s3 =	sld [smem:$0x3FAE]  }
0x31: {  	[smem:$0x3FB7] =	sst s10  }
0x32: {  	s10 =	sld [smem:$0x3FB5];
	_ =	sdelay $0x3  }
0x33: {  	p0 =	seq.s32 s10, $0x1;
	s10 =	sld [smem:$0x3FB7];
	_ =	sdelay $0x3  }
0x34: {  	[smem:$0x3FB7] =	sst s10  }
0x35: {  	s10 =	sld [smem:$0x3FB6];
	_ =	sdelay $0x3  }
0x36: {  	p1 =	seq.s32 s10, $0x1;
	s10 =	sld [smem:$0x3FB7];
	_ =	sdelay $0x3  }
0x37: {  	[smem:$0x3FB7] =	sst s10  }
0x38: {  	s10 =	sld [smem:$0x3FB8]  }
0x39: {  	_ = 	snop;
	(pc) =	sbr.ind lr, $3  }
0x3a: {  	_ = 	snop  }
0x3b: {  	_ = 	snop  }
0x3c: {  	p2 =	seq.s32 s10, $0x1;
	s10 =	sld [smem:$0x3FB7]  }
0x3d: {  	_ =	shalt  }
0x3e: {  	_ =	shalt  }
0x3f: {  	_ =	shalt  }
0x40: {  	_ =	shalt  }
0x41: {  	_ =	shalt  }
0x42: {  	_ =	shalt  }
0x43: {  	_ =	shalt  }
0x44: {  	_ =	shalt  }
0x45: {  	_ =	shalt  }
0x46: {  	_ =	shalt  }
0x47: {  	_ =	shalt  }
0x48: {  	_ =	shalt  }
0x49: {  	_ =	shalt  }
0x4a: {  	_ =	shalt  }
0x4b: {  	_ =	shalt  }
0x4c: {  	_ =	shalt  }
0x4d: {  	_ =	shalt  }
0x4e: {  	_ =	shalt  }
0x4f: {  	_ =	shalt  }
0x50: {  	_ =	shalt  }
0x51: {  	_ =	shalt  }
0x52: {  	_ =	shalt  }
0x53: {  	_ =	shalt  }
0x54: {  	_ =	shalt  }
0x55: {  	_ =	shalt  }
0x56: {  	_ =	shalt  }
0x57: {  	_ =	shalt  }
0x58: {  	_ =	shalt  }
0x59: {  	_ =	shalt  }
0x5a: {  	_ =	shalt  }
0x5b: {  	_ =	shalt  }
0x5c: {  	_ =	shalt  }
0x5d: {  	_ =	shalt  }
0x5e: {  	_ =	shalt  }
0x5f: {  	_ =	shalt  }
0x60: {  	_ =	shalt  }
0x61: {  	_ =	shalt  }
0x62: {  	_ =	shalt  }
0x63: {  	_ =	shalt  }
0x64: {  	_ =	shalt  }
0x65: {  	_ =	shalt  }
0x66: {  	_ =	shalt  }
0x67: {  	_ =	shalt  }
0x68: {  	_ =	shalt  }
0x69: {  	_ =	shalt  }
0x6a: {  	_ =	shalt  }
0x6b: {  	_ =	shalt  }
0x6c: {  	_ =	shalt  }
0x6d: {  	_ =	shalt  }
0x6e: {  	_ =	shalt  }
0x6f: {  	_ =	shalt  }
0x70: {  	_ =	shalt  }
0x71: {  	_ =	shalt  }
0x72: {  	_ =	shalt  }
0x73: {  	_ =	shalt  }
0x74: {  	_ =	shalt  }
0x75: {  	_ =	shalt  }
0x76: {  	_ =	shalt  }
0x77: {  	_ =	shalt  }
0x78: {  	_ =	shalt  }
0x79: {  	_ =	shalt  }
0x7a: {  	_ =	shalt  }
0x7b: {  	_ =	shalt  }
0x7c: {  	_ =	shalt  }
0x7d: {  	_ =	shalt  }
0x7e: {  	_ =	shalt  }
0x7f: {  	_ =	shalt  }
0x80: {  	_ =	shalt  }
0x81: {  	_ =	shalt  }
0x82: {  	_ =	shalt  }
0x83: {  	_ =	shalt  }
0x84: {  	_ =	shalt  }
0x85: {  	_ =	shalt  }
0x86: {  	_ =	shalt  }
0x87: {  	_ =	shalt  }
.Lfunc_end0:
.L_simem_size_0:
called_computation_lowered:
.L_overlay_start_0:
0x88: {  	s2 =	sld [smem:$0x3FD9]  }
0x89: {  	s3 =	sld [smem:$0x3FFE];
	_ =	sdelay $0x1  }
0x8a: {  	s1 =	srdreg.scid  }
0x8b: {  	s0 =	sand.u32 $0x1, s1  }
0x8c: {  	s18 =	sshll.u32 s0, $0xA;
	s2 =	sadd.s32 s3, s2  }
0x8d: {  	s2 =	sadd.s32 s2, s18  }
0x8e: {  	[smem:$0x3FC3] =	sst s2  }
0x8f: {  	_ = 	snop  }
0x90: {  	s2 =	sld [smem:$0x3FC9]  }
0x91: {  	s19 =	sld [smem:$0x3FC8]  }
0x92: {  	s4 =	sld [smem:$0x3FC7]  }
0x93: {  	s5 =	sld [smem:$0x3FC6]  }
0x94: {  	s6 =	sld [smem:$0x3FC5]  }
0x95: {  	s7 =	sld [smem:$0x3FD0];
	(tm) =	ssettm $0x1  }
0x96: {  	s8 =	sld [smem:$0x3FFB];
	_ =	sdelay $0x3  }
0x97: {  	_ =	strace s8  }
0x98: {  	s8 =	sld [smem:$0x3FFC];
	_ =	sdelay $0x3  }
0x99: {  	_ =	strace s8  }
0x9a: {  	s8 =	sld [smem:$0x3FFD];
	_ =	sdelay $0x3  }
0x9b: {  	_ =	strace s8  }
0x9c: {  	_ =	strace $0x8FFFFFFF  }
0x9d: {  	s20 =	sld [smem:$0x3FDB];
	_ =	sdelay $0x1  }
0x9e: {  	s9 =	simm.s32 $_scs_section_size  }
0x9f: {  	s10 =	simm.s32 $_size__tile_overlayer_lowered;
	s11 =	simm.s32 $_tile_overlayer_lowered  }
0xa0: {  	s23 =	simm.s32 $0x1BFF;
	s22 =	sshll.u32 s11, $0x1;
	s8 =	sadd.s32 s9, s20  }
0xa1: {  	s12 =	simm.s32 $0x0;
	s21 =	sshll.u32 s10, $0x1;
	s10 =	sadd.s32 s22, s8  }
0xa2: {  	[timem:s12], [sflag:s23] =	dma.local [hbm:s10], s21  }
0xa3: {  	_ =	swait.ge [sflag:s23], s21  }
0xa4: {  	s9 =	ssub.s32 $0x0, s21;
	[sflag:s23] =	ssyncset.done $0x0  }
0xa5: {  	[sflag:s23] =	ssyncadd.s32 s9;
	_ =	sdelay $0x1  }
0xa6: {  	s24 =	simm.s32 $0x1B8B  }
0xa7: {  	_ =	swait.ge [sflag:s24], $0x1  }
0xa8: {  	[sflag:s24] =	ssyncset.done $0x0  }
0xa9: {  	s25 =	simm.s32 $0x1B8E;
	[sflag:s24] =	ssyncadd.s32 $0xFFFFFFFF  }
0xaa: {  	s26 =	simm.s32 $execute0_lowered;
	[smem:$0x3FD2] =	sst s25  }
0xab: {  	s9 =	sshll.u32 s26, $0x1;
	_ =	strace $0x80000046;
	[dreg:$0x1] =	wrdreg $0xFFFFFFFF  }
0xac: {  	s28 =	simm.s32 $_size_execute0_lowered;
	s8 =	sadd.s32 s8, s9;
	[dreg:$0x0] =	wrdreg $0x0  }
0xad: {  	s9 =	sshll.u32 s28, $0x1;
	[dreg:$0x2] =	wrdreg s8  }
0xae: {  	[dreg:$0x3] =	wrdreg s9  }
0xaf: {  	[dreg:$0x4] =	wrdreg $0xC0  }
0xb0: {  	_ =	task [dreg:s12], $0x5FFFF  }
0xb1: {  	[dreg:$0x1] =	wrdreg $0xFFFFFFFF  }
0xb2: {  	[dreg:$0x0] =	wrdreg $0x60  }
0xb3: {  	[dreg:$0x2] =	wrdreg s2  }
0xb4: {  	[dreg:$0x3] =	wrdreg s19  }
0xb5: {  	[dreg:$0x4] =	wrdreg s4  }
0xb6: {  	[dreg:$0x5] =	wrdreg s5  }
0xb7: {  	[dreg:$0x6] =	wrdreg s6  }
0xb8: {  	[dreg:$0x7] =	wrdreg s7  }
0xb9: {  	[dreg:$0x8] =	wrdreg $0x104000  }
0xba: {  	[dreg:$0x9] =	wrdreg $0x114000  }
0xbb: {  	[dreg:$0xa] =	wrdreg $0x9  }
0xbc: {  	_ =	task.clear_ibuf [dreg:s12], $0xBFFFF;
	_ =	strace $0x90000046  }
0xbd: {  	s29 =	simm.s32 $0x9;
	_ =	strace $0x80000048  }
0xbe: {  	_ =	swait.ge [sflag:s29], $0x1  }
0xbf: {  	[sflag:s29] =	ssyncadd.s32 $0xFFFFFFFF  }
0xc0: {  	_ =	strace $0x90000048  }
0xc1: {  	_ =	sfence  }
0xc2: {  	s30 =	sld [smem:$0x0];
	_ =	sdelay $0x2  }
0xc3: {  	s31 =	sshll.u32 s1, $0xD;
	s1 =	sshrl.u32 s1, $0x2  }
0xc4: {  	s3 =	sand.u32 $0x4000, s31;
	s1 =	sadd.s32 s1, s30  }
0xc5: {  	s0 =	sor.u32 s3, s0;
	s1 =	sshll.u32 s1, $0x11  }
0xc6: {  	s0 =	sor.u32 s1, s0  }
0xc7: {  	s0 =	sadd.s32 $0x8F2B, s0  }
0xc8: {  	[sflag:s0] =	ssyncadd.remote.s32 $0x1  }
0xc9: {  	_ =	sfence.sel $0xFFFF  }
0xca: {  	[dreg:$0x0] =	wrdreg $0xFFFFFFFF;
	(pc) =	sbr.abs _section_cstart, $3  }
0xcb: {  	[dreg:$0x1] =	wrdreg $0xFFFFFFFF  }
0xcc: {  	_ =	task.clear_ibuf [dreg:s12], $0x2FFFF;
	_ =	strace $0x9FFFFFFF  }
0xcd: {  	(tm) =	ssettm $0x7FFFFFFF  }
tec
execute0_lowered:
.L_overlay_start_1:
0x0: {  	(tag) =	ssettag $0x1  }
0x1: {  	s0 =	rddreg [dreg:$0x0]  }
0x2: {  	s1 =	rddreg [dreg:$0x1]  }
0x3: {  	s2 =	rddreg [dreg:$0x2]  }
0x4: {  	s6 =	rddreg [dreg:$0x5]  }
0x5: {  	s7 =	rddreg [dreg:$0x6]  }
0x6: {  	s8 =	rddreg [dreg:$0x7]  }
0x7: {  	s3 =	srdreg.scid;
	s9 =	simm.s32 $0x0;
	s4 =	stileid.u32  }
0x8: {  	s18 =	simm.s32 $0x400;
	s19 =	simm.s32 $0x1;
	s20 =	simm.s32 $0x80  }
0x9: {  	s21 =	simm.s32 $0x5;
	s22 =	simm.s32 $0x2;
	s26 =	simm.s32 $0x8400  }
0xa: {  	s28 =	simm.s32 $0x6;
	s30 =	simm.s32 $0x3;
	s13 =	simm.s32 $0xC400  }
0xb: {  	s15 =	simm.s32 $0x7;
	s14 =	simm.s32 $0x4;
	s3 =	sand.u32 $0x1, s3  }
0xc: {  	[smem:$0x7FF] =	sst s9;
	s11 =	sshll.u32 s4, $0x1;
	s29 =	sshll.u32 s4, $0xC  }
0xd: {  	p0 =	sne.s32 s4, $0x0;
	p1 =	slt.u32 s4, $0x7;
	s5 =	ssub.s32 $0x2, s3  }
0xe: {  	p2 =	sgt.u32 s4, $0x6;
	s31 =	sor.u32 s3, s11;
	s10 =	sshrl.u32 s5, $0x1  }
0xf: {  	s3 =	sshll.u32 s3, $0xB;
	s5 =	ssub.s32 s5, s10;
	s10 =	sadd.s32 s29, s6  }
.Ltmp0:
0x10: {  	s3 =	sadd.s32 s3, s10;
	s5 =	smax.u32 s5, $0x1;
	(pc) =	sbr.rel .LBB2_1-.Ltmp0, $4  }
0x11: {  	_ =	strace $0x80000047;
	[dreg:$0x9] =	wrdreg s5;
	s3 =	sadd.s32 $0xFFFD0000, s3  }
0x12: {  	s11 =	sor.u32 $0x1FFFC0, s31;
	[dreg:$0xa] =	wrdreg s3;
	s3 =	sshrl.u32 @!p0 s7, $0x3  }
0x13: {  	s16 =	sor.u32 $0x1FFFE0, s31;
	[dreg:$0xb] =	wrdreg s3;
	s3 =	sshrl.u32 @!p0 s8, $0x3  }
0x14: {  	s6 =	simm.s32 $0x0;
	s5 =	simm.s32 $0x8;
	[dreg:$0xc] =	wrdreg s3  }
.LBB2_23:
0x15: {  	s3 =	simm.s32 @!p1 $0x9  }
0x16: {  	_ =	swait.ge @!p1 [sflag:s3], $0x4000  }
0x17: {  	[sflag:s3] =	ssyncset.done @!p1 $0x0  }
0x18: {  	s24 =	simm.s32 $0xA;
	[sflag:s3] =	ssyncadd.s32 @!p1 $0xFFFFC000  }
0x19: {  	_ =	swait.ge [sflag:s24], $0x4000  }
0x1a: {  	[sflag:s24] =	ssyncset.done $0x0  }
0x1b: {  	s25 =	simm.s32 $0xB;
	[sflag:s24] =	ssyncadd.s32 $0xFFFFC000  }
0x1c: {  	_ =	swait.ge [sflag:s25], $0x4000  }
0x1d: {  	[sflag:s25] =	ssyncset.done $0x0  }
0x1e: {  	s29 =	simm.s32 $0xC;
	[sflag:s25] =	ssyncadd.s32 $0xFFFFC000  }
0x1f: {  	_ =	swait.ge [sflag:s29], $0x4000  }
0x20: {  	[sflag:s29] =	ssyncset.done $0x0  }
0x21: {  	s3 =	simm.s32 @!p2 $0x9;
	[sflag:s29] =	ssyncadd.s32 $0xFFFFC000  }
0x22: {  	_ =	swait.ge @!p2 [sflag:s3], $0x4000  }
0x23: {  	s6 =	rddreg [dreg:$0xd]  }
0x24: {  	s4 =	rddreg [dreg:$0x9];
	s6 =	sadd.s32 $0x1, s6  }
0x25: {  	p3 =	sne.s32 s6, s4  }
.Ltmp1:
0x26: {  	_ = 	snop;
	(pc) =	sbr.rel @!p3 .LBB2_24-.Ltmp1, $3  }
0x27: {  	_ =	sdelay $0x1  }
0x28: {  	[sflag:s3] =	ssyncset.done @!p2 $0x0  }
0x29: {  	[sflag:s3] =	ssyncadd.s32 @!p2 $0xFFFFC000  }
.LBB2_1:
0x2a: {  	[dreg:$0xd] =	wrdreg s6  }
0x2b: {  	s4 =	rddreg [dreg:$0x3]  }
0x2c: {  	s3 =	simm.s32 @!p0 $0x1C0D;
	s6 =	rddreg [dreg:$0xb]  }
0x2d: {  	[spmem:s6], [sflag:s3] =	dma.local @!p0 [hbm:s4], $0x2000  }
0x2e: {  	s4 =	simm.s32 @!p0 $0xD  }
0x2f: {  	_ =	swait.ge @!p0 [sflag:s4], $0x2000  }
0x30: {  	[sflag:s4] =	ssyncset.done @!p0 $0x0  }
0x31: {  	s10 =	rddreg [dreg:$0xc];
	[sflag:s4] =	ssyncadd.s32 @!p0 $0xFFFFE000  }
0x32: {  	s6 =	rddreg [dreg:$0x4]  }
0x33: {  	[spmem:s10], [sflag:s3] =	dma.local @!p0 [hbm:s6], $0x2000  }
.Ltmp2:
0x34: {  	_ =	swait.ge @!p0 [sflag:s4], $0x2000;
	(pc) =	sbr.rel .LBB2_2-.Ltmp2, $4  }
0x35: {  	[sflag:s4] =	ssyncset.done @!p0 $0x0  }
0x36: {  	[sflag:s4] =	ssyncadd.s32 @!p0 $0xFFFFE000  }
0x37: {  	[bflag:$0x0] =	sbarrier.arrive $0xFFFF  }
0x38: {  	s29 =	simm.s32 $0x0;
	s3 =	rddreg [dreg:$0xa]  }
.LBB2_21:
0x39: {  	_ =	swait.ge [sflag:s30], $0x80  }
0x3a: {  	[sflag:s30] =	ssyncset.done $0x0  }
0x3b: {  	[sflag:s30] =	ssyncadd.s32 $0xFFFFFF80  }
0x3c: {  	_ =	swait.ge [sflag:s30], $0x80  }
0x3d: {  	[sflag:s30] =	ssyncset.done $0x0  }
0x3e: {  	[sflag:s30] =	ssyncadd.s32 $0xFFFFFF80  }
0x3f: {  	_ =	swait.ge [sflag:s30], $0x4000  }
0x40: {  	[sflag:s30] =	ssyncset.done $0x0  }
0x41: {  	s4 =	simm.s32 $0x100;
	[sflag:s30] =	ssyncadd.s32 $0xFFFFC000  }
0x42: {  	[tilespmem:s26], [sflag:$0x7] =	stream.indirect.gather.add.f32 [spmem:s7], $0x80, s4, s20, $0xb8;
	[tilespmem:$0x12400] =	vst v63  }
.LBB2_22:
0x43: {  	s4 =	sor.u32 $0x60, s10  }
0x44: {  	p3 =	sgt.u32 s4, $0x30D  }
0x45: {  	p4 =	seq.s32 @!p3 s29, $0x0  }
0x46: {  	p4 =	por p4, p3  }
0x47: {  	s6 =	simm.s32 @!p4 $0xC  }
0x48: {  	s4 =	sshll.u32 @!p3 s4, $0x7;
	_ =	swait.ge @!p4 [sflag:s6], $0x4000  }
0x49: {  	s4 =	smin.u32 @!p3 s4, $0x18620;
	[sflag:s6] =	ssyncset.done @!p4 $0x0  }
0x4a: {  	[sflag:s6] =	ssyncadd.s32 @!p4 $0xFFFFC000;
	s6 =	sshrl.u32 @!p3 s4, $0x3  }
0x4b: {  	s12 =	simm.s32 @!p3 $0x0;
	s17 =	simm.s32 @!p3 $0x180;
	s10 =	sadd.s32 @!p3 s1, s6  }
0x4c: {  	[tilespmem:s17], [sflag:$0x4] =	stream.linear.gather @!p3 [hbm4b:s10+s12], $0x80, $0x38;
	[tilespmem:$0x12400] =	vst v63  }
0x4d: {  	s4 =	sshll.u32 @!p3 s4, $0x4;
	s6 =	sadd.s32 @!p3 s2, s6;
	s10 =	simm.s32 @!p3 $0x380  }
0x4e: {  	[tilespmem:s10], [sflag:$0x4] =	stream.linear.gather @!p3 [hbm4b:s6+s12], $0x80, $0x38;
	[tilespmem:$0x12400] =	vst v63  }
0x4f: {  	s29 =	sadd.s32 $0x80, s29;
	s4 =	sadd.s32 @!p3 s0, s4;
	s6 =	simm.s32 @!p3 $0xC400  }
0x50: {  	[tilespmem:s6], [sflag:$0x4] =	stream.linear.gather @!p3 [hbm4b:s4+s12], $0x4000, $0x38;
	[tilespmem:$0x12400] =	vst v63  }
0x51: {  	p3 =	sne.s32 s29, $0x380  }
.Ltmp3:
0x52: {  	_ = 	snop;
	(pc) =	sbr.rel @!p3 .LBB2_23-.Ltmp3, $2  }
0x53: {  	_ =	sdelay $0x2  }
0x54: {  	s3 =	sadd.s32 $0x40000, s3  }
.LBB2_2:
0x55: {  	p3 =	seq.s32 s29, $0x0  }
.Ltmp4:
0x56: {  	_ = 	snop;
	(pc) =	sbr.rel @p3 .LBB2_5-.Ltmp4, $2  }
0x57: {  	_ =	sdelay $0x2  }
0x58: {  	s12 =	smov.u32 s16;
	s4 =	smov.u32 s11;
	s10 =	smov.u32 s31  }
0x59: {  	_ =	swait.ge [sflag:s28], $0x4000  }
0x5a: {  	[sflag:s28] =	ssyncset.done $0x0  }
0x5b: {  	s4 =	simm.s32 $0x4400;
	[sflag:s28] =	ssyncadd.s32 $0xFFFFC000  }
0x5c: {  	[hbm4b:s3+s9] =	stream.linear.scatter [tilespmem:s4], [sflag:$0xA], $0x4000, $0x38;
	[tilespmem:$0x12400] =	vst v63  }
0x5d: {  	_ =	swait.ge [sflag:s15], $0x4000  }
0x5e: {  	[sflag:s15] =	ssyncset.done $0x0  }
0x5f: {  	s24 =	simm.s32 $0x300;
	[sflag:s15] =	ssyncadd.s32 $0xFFFFC000  }
0x60: {  	[tilespmem:s26], [sflag:$0x7] =	stream.indirect.gather.add.f32 [spmem:s8], $0x80, s24, s20, $0xb8;
	[tilespmem:$0x12400] =	vst v63  }
0x61: {  	_ =	swait.ge [sflag:s14], $0x80  }
0x62: {  	[sflag:s14] =	ssyncset.done $0x0  }
0x63: {  	[sflag:s14] =	ssyncadd.s32 $0xFFFFFF80  }
0x64: {  	s10 =	sadd.s32 s29, s31;
	_ =	swait.ge [sflag:s14], $0x80  }
0x65: {  	p4 =	sgt.u32 s10, $0x30D;
	[sflag:s14] =	ssyncset.done $0x0  }
.Ltmp5:
0x66: {  	[sflag:s14] =	ssyncadd.s32 $0xFFFFFF80;
	(pc) =	sbr.rel @p4 .LBB2_6-.Ltmp5, $4  }
0x67: {  	_ =	swait.ge [sflag:s14], $0x4000  }
0x68: {  	s25 =	simm.s32 $0x180;
	s12 =	sadd.s32 $0x1FFFE0, s10;
	[sflag:s14] =	ssyncset.done $0x0  }
0x69: {  	p5 =	por $0x0, $0x0;
	s4 =	sadd.s32 $0x1FFFC0, s10;
	[sflag:s14] =	ssyncadd.s32 $0xFFFFC000  }
0x6a: {  	[tilespmem:s13], [sflag:$0x8] =	stream.indirect.gather.add.f32 [spmem:s7], $0x80, s25, s20, $0xb8;
	[tilespmem:$0x12400] =	vst v63  }
0x6b: {  	s6 =	simm.s32 $0x9  }
0x6c: {  	_ =	swait.ge [sflag:s6], $0x4000  }
0x6d: {  	[sflag:s6] =	ssyncset.done $0x0  }
0x6e: {  	[sflag:s6] =	ssyncadd.s32 $0xFFFFC000  }
.LBB2_5:
0x6f: {  	s24 =	sshll.u32 s10, $0x7  }
0x70: {  	s24 =	smin.u32 s24, $0x18620  }
0x71: {  	s25 =	sshrl.u32 s24, $0x3  }
0x72: {  	s17 =	sadd.s32 s1, s25  }
0x73: {  	[tilespmem:s9], [sflag:$0x1] =	stream.linear.gather [hbm4b:s17+s9], $0x80, $0x38;
	[tilespmem:$0x12400] =	vst v63  }
.Ltmp6:
0x74: {  	_ = 	snop;
	(pc) =	sbr.rel @p3 .LBB2_7-.Ltmp6, $4  }
0x75: {  	s6 =	simm.s32 $0x200;
	s23 =	sadd.s32 s2, s25;
	s25 =	sshll.u32 s24, $0x4  }
0x76: {  	[tilespmem:s6], [sflag:$0x1] =	stream.linear.gather [hbm4b:s23+s9], $0x80, $0x38;
	[tilespmem:$0x12400] =	vst v63  }
0x77: {  	p5 =	por $0x1, $0x1;
	s17 =	sadd.s32 s0, s25  }
0x78: {  	[tilespmem:s18], [sflag:$0x1] =	stream.linear.gather [hbm4b:s17+s9], $0x4000, $0x38;
	[tilespmem:$0x12400] =	vst v63  }
.LBB2_6:
0x79: {  	_ =	swait.ge [sflag:s15], $0x4000  }
0x7a: {  	[sflag:s15] =	ssyncset.done $0x0  }
0x7b: {  	[sflag:s15] =	ssyncadd.s32 $0xFFFFC000  }
0x7c: {  	s4 =	sshll.u32 s4, $0xB;
	s6 =	rddreg [dreg:$0x5]  }
0x7d: {  	s4 =	sadd.s32 s6, s4  }
0x7e: {  	[hbm4b:s4+s9] =	stream.linear.scatter [tilespmem:s26], [sflag:$0xB], $0x4000, $0x38;
	[tilespmem:$0x12400] =	vst v63  }
.Ltmp7:
0x7f: {  	_ = 	snop;
	(pc) =	sbr.rel @!p5 .LBB2_8-.Ltmp7, $4  }
0x80: {  	_ =	swait.ge [sflag:s5], $0x4000  }
0x81: {  	[sflag:s5] =	ssyncset.done $0x0  }
0x82: {  	s25 =	simm.s32 $0x380;
	p4 =	por $0x0, $0x0;
	[sflag:s5] =	ssyncadd.s32 $0xFFFFC000  }
0x83: {  	[tilespmem:s13], [sflag:$0x8] =	stream.indirect.gather.add.f32 [spmem:s8], $0x80, s25, s20, $0xb8;
	[tilespmem:$0x12400] =	vst v63  }
.LBB2_7:
0x84: {  	_ =	swait.ge [sflag:s19], $0x80  }
0x85: {  	[sflag:s19] =	ssyncset.done $0x0  }
0x86: {  	[sflag:s19] =	ssyncadd.s32 $0xFFFFFF80  }
0x87: {  	_ =	swait.ge [sflag:s19], $0x80  }
0x88: {  	[sflag:s19] =	ssyncset.done $0x0  }
0x89: {  	[sflag:s19] =	ssyncadd.s32 $0xFFFFFF80  }
0x8a: {  	_ =	swait.ge [sflag:s19], $0x4000  }
0x8b: {  	[sflag:s19] =	ssyncset.done $0x0  }
0x8c: {  	p4 =	por $0x1, $0x1;
	[sflag:s19] =	ssyncadd.s32 $0xFFFFC000  }
0x8d: {  	[tilespmem:s18], [sflag:$0x5] =	stream.indirect.gather.add.f32 [spmem:s7], $0x80, s9, s20, $0xb8;
	[tilespmem:$0x12400] =	vst v63  }
.LBB2_8:
0x8e: {  	s4 =	sor.u32 $0x20, s10  }
0x8f: {  	p6 =	sgt.u32 s4, $0x30D  }
0x90: {  	p5 =	seq.s32 @!p6 s29, $0x0  }
0x91: {  	p5 =	por p5, p6  }
0x92: {  	s17 =	simm.s32 @!p5 $0xA  }
0x93: {  	s24 =	sshll.u32 @!p6 s4, $0x7;
	_ =	swait.ge @!p5 [sflag:s17], $0x4000  }
0x94: {  	s24 =	smin.u32 @!p6 s24, $0x18620;
	[sflag:s17] =	ssyncset.done @!p5 $0x0  }
0x95: {  	[sflag:s17] =	ssyncadd.s32 @!p5 $0xFFFFC000;
	s17 =	sshrl.u32 @!p6 s24, $0x3  }
0x96: {  	s23 =	simm.s32 @!p6 $0x0;
	s6 =	simm.s32 @!p6 $0x80;
	s25 =	sadd.s32 @!p6 s1, s17  }
0x97: {  	[tilespmem:s6], [sflag:$0x2] =	stream.linear.gather @!p6 [hbm4b:s25+s23], $0x80, $0x38;
	[tilespmem:$0x12400] =	vst v63  }
.Ltmp8:
0x98: {  	s6 =	sadd.s32 @!p6 s2, s17;
	s17 =	simm.s32 @!p6 $0x280;
	(pc) =	sbr.rel @p3 .LBB2_11-.Ltmp8, $4  }
0x99: {  	[tilespmem:s17], [sflag:$0x2] =	stream.linear.gather @!p6 [hbm4b:s6+s23], $0x80, $0x38;
	[tilespmem:$0x12400] =	vst v63  }
0x9a: {  	s6 =	sshll.u32 @!p6 s24, $0x4  }
0x9b: {  	s17 =	simm.s32 @!p6 $0x4400;
	s6 =	sadd.s32 @!p6 s0, s6  }
0x9c: {  	[tilespmem:s17], [sflag:$0x2] =	stream.linear.gather @!p6 [hbm4b:s6+s23], $0x4000, $0x38;
	[tilespmem:$0x12400] =	vst v63  }
0x9d: {  	_ =	swait.ge [sflag:s5], $0x4000  }
.Ltmp9:
0x9e: {  	[sflag:s5] =	ssyncset.done $0x0;
	(pc) =	sbr.rel @!p4 .LBB2_10-.Ltmp9, $4  }
0x9f: {  	[sflag:s5] =	ssyncadd.s32 $0xFFFFC000  }
0xa0: {  	s6 =	sshll.u32 s12, $0xB;
	s25 =	rddreg [dreg:$0x5]  }
0xa1: {  	s6 =	sadd.s32 s25, s6  }
0xa2: {  	[hbm4b:s6+s9] =	stream.linear.scatter [tilespmem:s13], [sflag:$0xC], $0x4000, $0x38;
	[tilespmem:$0x12400] =	vst v63  }
.LBB2_12:
0xa3: {  	p6 =	slt.u32 s4, $0x30E  }
.Ltmp10:
0xa4: {  	_ = 	snop;
	(pc) =	sbr.rel @!p6 .LBB2_14-.Ltmp10, $4  }
.Ltmp11:
0xa5: {  	_ =	swait.ge [sflag:s21], $0x4000;
	(pc) =	sbr.rel @p6 .LBB2_13-.Ltmp11, $4  }
0xa6: {  	s6 =	simm.s32 $0x200;
	[sflag:s21] =	ssyncset.done $0x0  }
0xa7: {  	p4 =	por $0x0, $0x0;
	p5 =	por $0x1, $0x1;
	[sflag:s21] =	ssyncadd.s32 $0xFFFFC000  }
0xa8: {  	[tilespmem:s18], [sflag:$0x5] =	stream.indirect.gather.add.f32 [spmem:s8], $0x80, s6, s20, $0xb8;
	[tilespmem:$0x12400] =	vst v63  }
0xa9: {  	_ = 	snop  }
.LBB2_11:
.Ltmp12:
0xaa: {  	(pc) =	sbr.rel @p4 .LBB2_12-.Ltmp12, $1  }
0xab: {  	_ =	sdelay $0x3  }
.LBB2_10:
.Ltmp13:
0xac: {  	(pc) =	sbr.rel @p6 .LBB2_14-.Ltmp13, $2  }
0xad: {  	_ =	sdelay $0x2  }
0xae: {  	p5 =	por $0x0, $0x0;
	p4 =	por $0x0, $0x0  }
.LBB2_13:
0xaf: {  	_ =	swait.ge [sflag:s22], $0x80  }
0xb0: {  	[sflag:s22] =	ssyncset.done $0x0  }
0xb1: {  	[sflag:s22] =	ssyncadd.s32 $0xFFFFFF80  }
0xb2: {  	_ =	swait.ge [sflag:s22], $0x80  }
0xb3: {  	[sflag:s22] =	ssyncset.done $0x0  }
0xb4: {  	[sflag:s22] =	ssyncadd.s32 $0xFFFFFF80  }
0xb5: {  	_ =	swait.ge [sflag:s22], $0x4000  }
0xb6: {  	[sflag:s22] =	ssyncset.done $0x0  }
0xb7: {  	s4 =	simm.s32 $0x4400;
	p4 =	por $0x1, $0x1;
	[sflag:s22] =	ssyncadd.s32 $0xFFFFC000  }
0xb8: {  	[tilespmem:s4], [sflag:$0x6] =	stream.indirect.gather.add.f32 [spmem:s7], $0x80, s20, s20, $0xb8;
	[tilespmem:$0x12400] =	vst v63  }
.LBB2_14:
0xb9: {  	s12 =	sor.u32 $0x40, s10  }
0xba: {  	p6 =	sgt.u32 s12, $0x30D  }
.Ltmp14:
0xbb: {  	_ = 	snop;
	(pc) =	sbr.rel @p6 .LBB2_18-.Ltmp14, $1  }
0xbc: {  	_ =	sdelay $0x3  }
0xbd: {  	s4 =	simm.s32 @!p3 $0xB;
	s6 =	sshll.u32 s12, $0x7  }
0xbe: {  	_ =	swait.ge @!p3 [sflag:s4], $0x4000;
	s6 =	smin.u32 s6, $0x18620  }
0xbf: {  	[sflag:s4] =	ssyncset.done @!p3 $0x0;
	s17 =	sshrl.u32 s6, $0x3  }
0xc0: {  	s23 =	simm.s32 $0x100;
	[sflag:s4] =	ssyncadd.s32 @!p3 $0xFFFFC000;
	s25 =	sadd.s32 s1, s17  }
0xc1: {  	[tilespmem:s23], [sflag:$0x3] =	stream.linear.gather [hbm4b:s25+s9], $0x80, $0x38;
	[tilespmem:$0x12400] =	vst v63  }
.Ltmp15:
0xc2: {  	_ = 	snop;
	(pc) =	sbr.rel @p5 .LBB2_19-.Ltmp15, $4  }
0xc3: {  	s24 =	simm.s32 $0x300;
	s23 =	sadd.s32 s2, s17;
	s25 =	sshll.u32 s6, $0x4  }
0xc4: {  	[tilespmem:s24], [sflag:$0x3] =	stream.linear.gather [hbm4b:s23+s9], $0x80, $0x38;
	[tilespmem:$0x12400] =	vst v63  }
0xc5: {  	s4 =	sadd.s32 s0, s25  }
0xc6: {  	[tilespmem:s26], [sflag:$0x3] =	stream.linear.gather [hbm4b:s4+s9], $0x4000, $0x38;
	[tilespmem:$0x12400] =	vst v63  }
.LBB2_16:
.Ltmp16:
0xc7: {  	(pc) =	sbr.rel @!p4 .LBB2_17-.Ltmp16, $1  }
0xc8: {  	_ =	sdelay $0x3  }
.LBB2_20:
0xc9: {  	p3 =	slt.u32 s12, $0x30E  }
.Ltmp17:
0xca: {  	_ = 	snop;
	(pc) =	sbr.rel @!p3 .LBB2_22-.Ltmp17, $4  }
.Ltmp18:
0xcb: {  	_ =	swait.ge [sflag:s28], $0x4000;
	(pc) =	sbr.rel @p3 .LBB2_21-.Ltmp18, $4  }
0xcc: {  	[sflag:s28] =	ssyncset.done $0x0  }
0xcd: {  	s4 =	simm.s32 $0x4400;
	s6 =	simm.s32 $0x280;
	[sflag:s28] =	ssyncadd.s32 $0xFFFFC000  }
0xce: {  	[tilespmem:s4], [sflag:$0x6] =	stream.indirect.gather.add.f32 [spmem:s8], $0x80, s6, s20, $0xb8;
	[tilespmem:$0x12400] =	vst v63  }
0xcf: {  	_ = 	snop  }
.LBB2_18:
.Ltmp19:
0xd0: {  	(pc) =	sbr.rel @!p5 .LBB2_16-.Ltmp19, $1  }
0xd1: {  	_ =	sdelay $0x3  }
.LBB2_19:
0xd2: {  	_ =	swait.ge [sflag:s21], $0x4000  }
.Ltmp20:
0xd3: {  	s4 =	sshll.u32 s10, $0x7;
	[sflag:s21] =	ssyncset.done $0x0;
	(pc) =	sbr.rel @p4 .LBB2_20-.Ltmp20, $4  }
0xd4: {  	s4 =	smin.u32 s4, $0x18620;
	[sflag:s21] =	ssyncadd.s32 $0xFFFFC000  }
0xd5: {  	s4 =	sshll.u32 s4, $0x4;
	s6 =	rddreg [dreg:$0x5]  }
0xd6: {  	s4 =	sadd.s32 s6, s4  }
0xd7: {  	[hbm4b:s4+s9] =	stream.linear.scatter [tilespmem:s18], [sflag:$0x9], $0x4000, $0x38;
	[tilespmem:$0x12400] =	vst v63  }
.LBB2_17:
.Ltmp21:
0xd8: {  	(pc) =	sbr.rel @p6 .LBB2_22-.Ltmp21, $4  }
.Ltmp22:
0xd9: {  	(pc) =	sbr.rel @!p6 .LBB2_21-.Ltmp22, $4  }
0xda: {  	_ = 	snop  }
0xdb: {  	_ = 	snop  }
0xdc: {  	_ = 	snop  }
0xdd: {  	_ = 	snop  }
.LBB2_24:
0xde: {  	_ =	sfence.sel $0x180000  }
0xdf: {  	[bflag:$0x0] =	sbarrier.arrive $0xFFFF  }
0xe0: {  	_ =	strace $0x90000047  }
0xe1: {  	[bflag:$0x2] =	sbarrier.arrive $0xFFFF  }
0xe2: {  	s0 =	rddreg [dreg:$0x8]  }
0xe3: {  	s0 =	sadd.s32 @!p0 $0x100000, s0  }
0xe4: {  	[sflag:s0] =	ssyncadd.tile.s32 @!p0 $0x1;
	_ =	shalt  }
.Lfunc_end2:
_tile_overlayer_lowered:
.L_overlay_start_2:
0xe5: {  	(tag) =	ssettag $0x2  }
0xe6: {  	s0 =	rddreg [dreg:$0x0];
	s2 =	stileid.u32  }
0xe7: {  	s1 =	rddreg [dreg:$0x1];
	p0 =	sne.s32 s2, $0x0  }
0xe8: {  	s3 =	rddreg [dreg:$0x2];
	[bflag:$0x3] =	sbarrier.arrive $0xFFFF;
	s2 =	simm.s32 @!p0 $0x1C0D  }
0xe9: {  	[timem:s3], [sflag:s2] =	dma.local @!p0 [hbm:s0], s1  }
0xea: {  	s0 =	simm.s32 @!p0 $0xD  }
0xeb: {  	_ =	swait.ge @!p0 [sflag:s0], s1  }
0xec: {  	s1 =	ssub.s32 @!p0 $0x0, s1;
	[sflag:s0] =	ssyncset.done @!p0 $0x0  }
0xed: {  	[sflag:s0] =	ssyncadd.s32 @!p0 s1  }
0xee: {  	[bflag:$0x3] =	sbarrier.arrive $0xFFFF  }
0xef: {  	_ =	shalt  }

</sc_bundles>
